<compile_context>
chip_gen: v7x
topology: tpu7x:2x2x1
jax: 0.10.2.dev20260603
libtpu: 0.0.44.dev20260713+nightly
codegen_flags: <defaults>
</compile_context>

<pallas_src>
import functools

import jax
import jax.numpy as jnp
from jax import lax
from jax.experimental import pallas as pl
from jax.experimental.pallas import tpu as pltpu
from jax.experimental.pallas import tpu_sc as plsc

N = 10000
DI = 128
DH = 64
E = 320000
NWORK = 32
CHUNK = 128
NROW = E // CHUNK
NCH = NROW // NWORK
NEXTRA = NROW - NCH * NWORK
SLAB = N // 16


@functools.cache
def _sc_kernels():
    mesh = plsc.VectorSubcoreMesh(
        core_axis_name="c", subcore_axis_name="s", num_cores=2, num_subcores=16)

    @functools.partial(
        pl.kernel,
        out_type=jax.ShapeDtypeStruct((2, N), jnp.float32),
        mesh=mesh,
        compiler_params=pltpu.CompilerParams(use_tc_tiling_on_sc=False),
        scratch_types=[
            pltpu.VMEM((NCH + 1, CHUNK), jnp.int32),
            pltpu.VMEM((CHUNK,), jnp.float32),
            pltpu.VMEM_SHARED((N,), jnp.float32),
            pltpu.SemaphoreType.DMA,
            pltpu.SemaphoreType.DMA,
        ],
    )
    def deg_kernel(edges_hbm, ones_hbm, zeros_hbm, out_hbm, dst_v, ones_v,
                   acc, dsem, psem):
        cid = lax.axis_index("c")
        sid = lax.axis_index("s")
        wid = cid * 16 + sid
        dst_hbm = edges_hbm.at[1]
        p0 = pltpu.async_copy(dst_hbm.at[pl.ds(wid * NCH, NCH)],
                              dst_v.at[pl.ds(0, NCH)], psem)
        p1 = pltpu.async_copy(ones_hbm, ones_v, psem)
        deg_slab = pl.ds(sid * 1000, 1000)

        @pl.when(sid < 10)
        def _():
            pltpu.sync_copy(zeros_hbm.at[deg_slab], acc.at[deg_slab])

        @pl.when(wid < NEXTRA)
        def _():
            pltpu.sync_copy(dst_hbm.at[pl.ds(NCH * NWORK + wid, 1)],
                            dst_v.at[pl.ds(NCH, 1)])

        p0.wait()
        p1.wait()
        plsc.subcore_barrier()

        def body(j, carry):
            pltpu.async_copy(ones_v, acc.at[dst_v.at[j]], dsem, add=True)
            return carry

        lax.fori_loop(0, NCH, body, 0)

        @pl.when(wid < NEXTRA)
        def _():
            pltpu.async_copy(ones_v, acc.at[dst_v.at[NCH]], dsem, add=True)

        def drain(j, carry):
            pltpu.make_async_copy(ones_v, acc.at[dst_v.at[0]], dsem).wait()
            return carry

        lax.fori_loop(0, NCH, drain, 0)

        @pl.when(wid < NEXTRA)
        def _():
            pltpu.make_async_copy(ones_v, acc.at[dst_v.at[0]], dsem).wait()

        plsc.subcore_barrier()

        @pl.when(sid < 10)
        def _():
            pltpu.sync_copy(acc.at[deg_slab], out_hbm.at[cid].at[deg_slab])

    @functools.partial(
        pl.kernel,
        out_type=jax.ShapeDtypeStruct((2, N, DH), jnp.float32),
        mesh=mesh,
        compiler_params=pltpu.CompilerParams(use_tc_tiling_on_sc=False),
        scratch_types=[
            pltpu.VMEM((NCH + 1, CHUNK), jnp.int32),
            pltpu.VMEM((NCH + 1, CHUNK), jnp.int32),
            pltpu.VMEM((2, CHUNK, DH), jnp.float32),
            pltpu.VMEM_SHARED((N, DH), jnp.float32),
            pltpu.VMEM_SHARED((N, DH), jnp.float32),
            pltpu.SemaphoreType.DMA,
            pltpu.SemaphoreType.DMA,
            pltpu.SemaphoreType.DMA,
        ],
    )
    def agg_kernel(g_hbm, edges_hbm, zeros_hbm, out_hbm,
                   src_v, dst_v, rows, acc, g_sh,
                   gs0, gs1, psem):
        cid = lax.axis_index("c")
        sid = lax.axis_index("s")
        wid = cid * 16 + sid
        slab = pl.ds(sid * SLAB, SLAB)
        p0 = pltpu.async_copy(edges_hbm.at[0].at[pl.ds(wid * NCH, NCH)],
                              src_v.at[pl.ds(0, NCH)], psem)
        p1 = pltpu.async_copy(edges_hbm.at[1].at[pl.ds(wid * NCH, NCH)],
                              dst_v.at[pl.ds(0, NCH)], psem)
        p2 = pltpu.async_copy(zeros_hbm.at[slab], acc.at[slab], psem)
        p3 = pltpu.async_copy(g_hbm.at[slab], g_sh.at[slab], psem)

        @pl.when(wid < NEXTRA)
        def _():
            pltpu.sync_copy(edges_hbm.at[0].at[pl.ds(NCH * NWORK + wid, 1)],
                            src_v.at[pl.ds(NCH, 1)])
            pltpu.sync_copy(edges_hbm.at[1].at[pl.ds(NCH * NWORK + wid, 1)],
                            dst_v.at[pl.ds(NCH, 1)])

        p0.wait()
        p1.wait()
        p2.wait()
        p3.wait()
        plsc.subcore_barrier()

        gsems = (gs0, gs1)

        def gather(j, b):
            pltpu.async_copy(g_sh.at[src_v.at[j]], rows.at[b], gsems[b])

        def gwait(b):
            pltpu.make_async_copy(g_sh.at[src_v.at[0]], rows.at[b],
                                  gsems[b]).wait()

        def scatter(j, b):
            pltpu.sync_copy(rows.at[b], acc.at[dst_v.at[j]], add=True)

        gather(0, 0)

        def body(j2, carry):
            j = j2 * 2
            gather(j + 1, 1)
            gwait(0)
            scatter(j, 0)
            gwait(1)

            @pl.when(j2 < NCH // 2 - 1)
            def _():
                gather(j + 2, 0)

            scatter(j + 1, 1)
            return carry

        lax.fori_loop(0, NCH // 2, body, 0)

        @pl.when(wid < NEXTRA)
        def _():
            gather(NCH, 0)
            gwait(0)
            scatter(NCH, 0)

        plsc.subcore_barrier()
        pltpu.sync_copy(acc.at[slab], out_hbm.at[cid].at[slab])

    return deg_kernel, agg_kernel


NPAIR = N // 2
RB = 2000
GRID = N // RB
RB2 = 1000
GRID2 = NPAIR // RB2


def _stage_a_body(x_ref, w_ref, h_ref):
    h_ref[...] = jnp.dot(x_ref[...], w_ref[...],
                         preferred_element_type=jnp.float32)


def _stage_b_body(a_ref, g1_ref, dinv_ref, w_ref, b_ref, g2_ref):
    dinv = dinv_ref[...]
    agg = a_ref[0] + a_ref[1] + g1_ref[...]
    z = jnp.maximum(agg * dinv + b_ref[...], 0.0)
    h2 = jnp.dot(z, w_ref[...], preferred_element_type=jnp.float32)
    g2_ref[...] = h2 * dinv


def _stage_c_body(a_ref, g2_ref, dinv_ref, w_ref, b2_ref, bc_ref, out_ref):
    agg = a_ref[0] + a_ref[1] + g2_ref[...]
    z = agg * dinv_ref[...] + b2_ref[...]
    out_ref[...] = (
        jnp.dot(z, w_ref[...], preferred_element_type=jnp.float32)
        + bc_ref[...])


def _full_spec(shape):
    return pl.BlockSpec(shape, lambda i: tuple(0 for _ in shape))


def _pair_spec(d):
    return pl.BlockSpec((RB2, d), lambda i: (i, 0))


_part_spec = pl.BlockSpec((2, RB2, 128), lambda i: (0, i, 0))

_stage_a = pl.pallas_call(
    _stage_a_body,
    out_shape=jax.ShapeDtypeStruct((NPAIR, 128), jnp.float32),
    grid=(GRID2,),
    in_specs=[_pair_spec(2 * DI), _full_spec((2 * DI, 128))],
    out_specs=_pair_spec(128),
)

_stage_b = pl.pallas_call(
    _stage_b_body,
    out_shape=jax.ShapeDtypeStruct((NPAIR, 128), jnp.float32),
    grid=(GRID2,),
    in_specs=[_part_spec, _pair_spec(128), _pair_spec(128),
              _full_spec((128, 128)), _full_spec((1, 128))],
    out_specs=_pair_spec(128),
)

_stage_c = pl.pallas_call(
    _stage_c_body,
    out_shape=jax.ShapeDtypeStruct((NPAIR, 8), jnp.float32),
    grid=(GRID2,),
    in_specs=[_part_spec, _pair_spec(128), _pair_spec(128),
              _full_spec((128, 8)), _full_spec((1, 128)), _full_spec((1, 8))],
    out_specs=_pair_spec(8),
)


@jax.jit
def kernel(x, edge_index, W1, b1, W2, b2, Wc, bc):
    edges = edge_index.astype(jnp.int32).reshape(2, NROW, CHUNK)

    ones1 = jnp.ones((CHUNK,), jnp.float32)
    zeros1 = jnp.zeros((N,), jnp.float32)
    zeros64 = jnp.zeros((N, DH), jnp.float32)
    w1_blk = (jnp.zeros((2 * DI, 128), jnp.float32)
              .at[:DI, :DH].set(W1).at[DI:, DH:].set(W1))
    w2_blk = (jnp.zeros((128, 128), jnp.float32)
              .at[:DH, :DH].set(W2).at[DH:, DH:].set(W2))
    wc_blk = (jnp.zeros((128, 8), jnp.float32)
              .at[:DH, 0:2].set(Wc).at[DH:, 4:6].set(Wc))
    b1_2 = jnp.tile(b1, 2).reshape(1, 128)
    b2_2 = jnp.tile(b2, 2).reshape(1, 128)
    bc_2 = (jnp.zeros((1, 8), jnp.float32)
            .at[0, 0:2].set(bc).at[0, 4:6].set(bc))

    deg_kernel, agg_kernel = _sc_kernels()
    degp = deg_kernel(edges, ones1, zeros1)
    h1 = _stage_a(x.reshape(NPAIR, 2 * DI), w1_blk)
    dinv = lax.rsqrt(degp[0] + degp[1] + 1.0)
    dinv2 = jnp.broadcast_to(dinv.reshape(NPAIR, 2, 1),
                             (NPAIR, 2, DH)).reshape(NPAIR, 128)
    g1 = h1 * dinv2

    a1 = agg_kernel(g1.reshape(N, DH), edges, zeros64)
    g2 = _stage_b(a1.reshape(2, NPAIR, 128), g1, dinv2, w2_blk, b1_2)
    a2 = agg_kernel(g2.reshape(N, DH), edges, zeros64)
    logits = _stage_c(a2.reshape(2, NPAIR, 128), g2, dinv2, wc_blk,
                      b2_2, bc_2)
    return logits.reshape(N, 4)[:, :2]

# --- scband reference (transcript-rebuilt; emitter-appended) ---
"""Pipeline reference for scband-gcnbaseline-46901042872928 (READ-ONLY COPY).

The authoritative reference and input builder live on the scoring server;
editing this copy changes nothing except your own understanding.
"""

import jax, jax.numpy as jnp
import numpy as np

N_NODES = 10000
N_EDGES = 320000
D_IN = 128
D_HID = 64
N_CLASSES = 2


def _gcn_conv(x, src, dst, W, b, num_nodes):
    # PyG GCNConv semantics: add self-loops, symmetric degree normalization,
    # linear transform, scatter-add aggregation, bias.
    loop = jnp.arange(num_nodes, dtype=src.dtype)
    s = jnp.concatenate([src, loop])
    d = jnp.concatenate([dst, loop])
    deg = jnp.zeros((num_nodes,), dtype=x.dtype).at[d].add(1.0)
    dinv = jnp.where(deg > 0, deg ** -0.5, 0.0)
    norm = dinv[s] * dinv[d]
    h = x @ W
    msg = h[s] * norm[:, None]
    out = jnp.zeros((num_nodes, W.shape[1]), dtype=x.dtype).at[d].add(msg)
    return out + b


def setup_inputs(seed: int = 0) -> dict:
    key = jax.random.key(seed)
    k = jax.random.split(key, 8)
    x = jax.random.normal(k[0], (N_NODES, D_IN), dtype=jnp.float32)
    edge_index = jax.random.randint(k[1], (2, N_EDGES), 0, N_NODES, dtype=jnp.int64)
    W1 = jax.random.normal(k[2], (D_IN, D_HID), dtype=jnp.float32) * (1.0 / np.sqrt(D_IN))
    b1 = jnp.zeros((D_HID,), dtype=jnp.float32)
    W2 = jax.random.normal(k[3], (D_HID, D_HID), dtype=jnp.float32) * (1.0 / np.sqrt(D_HID))
    b2 = jnp.zeros((D_HID,), dtype=jnp.float32)
    Wc = jax.random.normal(k[4], (D_HID, N_CLASSES), dtype=jnp.float32) * (1.0 / np.sqrt(D_HID))
    bc = jnp.zeros((N_CLASSES,), dtype=jnp.float32)
    return {"x": x, "edge_index": edge_index, "W1": W1, "b1": b1, "W2": W2, "b2": b2, "Wc": Wc, "bc": bc}


def reference(x, edge_index, W1, b1, W2, b2, Wc, bc):
    # Eval mode: dropout is identity.
    num_nodes = x.shape[0]
    src, dst = edge_index[0], edge_index[1]
    h = _gcn_conv(x, src, dst, W1, b1, num_nodes)
    h = jax.nn.relu(h)
    h = _gcn_conv(h, src, dst, W2, b2, num_nodes)
    logits = h @ Wc + bc
    return logits

if __name__ == "__main__":
    import jax
    _d = setup_inputs()
    print(jax.jit(kernel)(*tuple(_d.values())))

</pallas_src>

<mosaic_0001>
#map = affine_map<(d0, d1) -> (0, 0, 0)>
#map1 = affine_map<(d0, d1) -> (0)>
#map2 = affine_map<(d0, d1) -> (0, 0)>
module attributes {stable_mosaic.version = 14 : i64} {
  func.func @deg_kernel(%arg0: i32, %arg1: i32, %arg2: memref<2x2500x128xi32, #tpu.memory_space<hbm>>, %arg3: memref<128xf32, #tpu.memory_space<hbm>>, %arg4: memref<10000xf32, #tpu.memory_space<hbm>>, %arg5: memref<2x10000xf32, #tpu.memory_space<hbm>>, %arg6: memref<79x128xi32, #tpu.memory_space<vmem>>, %arg7: memref<128xf32, #tpu.memory_space<vmem>>, %arg8: memref<10000xf32, #tpu.memory_space<vmem_shared>>, %arg9: memref<!tpu.dma_semaphore, #tpu.memory_space<semaphore_mem>>, %arg10: memref<!tpu.dma_semaphore, #tpu.memory_space<semaphore_mem>>) attributes {dimension_semantics = [#tpu.dimension_semantics<core_parallel>, #tpu.dimension_semantics<subcore_parallel>], iteration_bounds = array<i64: 2, 16>, scalar_prefetch = 0 : i64, scratch_operands = 5 : i64, tpu.core_type = #tpu.core_type<sc_vector_subcore>, window_params = [{transform_indices = #map}, {transform_indices = #map1}, {transform_indices = #map1}, {transform_indices = #map2}]} {
    %mul3A = arith.constant 16 : i32
    %mul3A_0 = arith.muli %arg0, %mul3A : i32
    %add3A = arith.addi %mul3A_0, %arg1 : i32
    %mul3A_1 = arith.constant 78 : i32
    %mul3A_2 = arith.muli %add3A, %mul3A_1 : i32
    %dma_start3A = arith.constant 1 : i32
    %dma_start3A_3 = arith.constant 0 : i32
    %dma_start3A_4 = arith.constant 0 : i32
    %dma_start3A_5 = tpu.memref_slice %arg6[%dma_start3A_3, %dma_start3A_4] : memref<79x128xi32, #tpu.memory_space<vmem>> -> memref<78x128xi32, #tpu.memory_space<vmem>>
    %dma_start3A_6 = arith.constant 0 : i32
    %dma_start3A_7 = arith.constant 0 : i32
    %dma_start3A_8 = tpu.memref_slice %arg2[%dma_start3A, %dma_start3A_6, %dma_start3A_7] : memref<2x2500x128xi32, #tpu.memory_space<hbm>> -> memref<1x2500x128xi32, #tpu.memory_space<hbm>>
    %dma_start3A_9 = tpu.memref_squeeze %dma_start3A_8 : memref<1x2500x128xi32, #tpu.memory_space<hbm>> -> memref<2500x128xi32, #tpu.memory_space<hbm>>
    %dma_start3A_10 = arith.constant 0 : i32
    %dma_start3A_11 = tpu.memref_slice %dma_start3A_9[%mul3A_2, %dma_start3A_10] : memref<2500x128xi32, #tpu.memory_space<hbm>> -> memref<78x128xi32, #tpu.memory_space<hbm>>
    %dma_start3A_12 = arith.constant 0 : i32
    %dma_start3A_13 = arith.constant 0 : i32
    %dma_start3A_14 = tpu.memref_slice %arg6[%dma_start3A_12, %dma_start3A_13] : memref<79x128xi32, #tpu.memory_space<vmem>> -> memref<78x128xi32, #tpu.memory_space<vmem>>
    %dma_start3A_15 = arith.constant 0 : i32
    %dma_start3A_16 = arith.constant 0 : i32
    %dma_start3A_17 = tpu.memref_slice %arg2[%dma_start3A, %dma_start3A_15, %dma_start3A_16] : memref<2x2500x128xi32, #tpu.memory_space<hbm>> -> memref<1x2500x128xi32, #tpu.memory_space<hbm>>
    %dma_start3A_18 = tpu.memref_squeeze %dma_start3A_17 : memref<1x2500x128xi32, #tpu.memory_space<hbm>> -> memref<2500x128xi32, #tpu.memory_space<hbm>>
    %dma_start3A_19 = arith.constant 0 : i32
    %dma_start3A_20 = tpu.memref_slice %dma_start3A_18[%mul3A_2, %dma_start3A_19] : memref<2500x128xi32, #tpu.memory_space<hbm>> -> memref<78x128xi32, #tpu.memory_space<hbm>>
    tpu.enqueue_dma source(%dma_start3A_20 : memref<78x128xi32, #tpu.memory_space<hbm>>) target(%dma_start3A_14 : memref<78x128xi32, #tpu.memory_space<vmem>>) target_semaphore(%arg10 : memref<!tpu.dma_semaphore, #tpu.memory_space<semaphore_mem>>)
    tpu.enqueue_dma source(%arg3 : memref<128xf32, #tpu.memory_space<hbm>>) target(%arg7 : memref<128xf32, #tpu.memory_space<vmem>>) target_semaphore(%arg10 : memref<!tpu.dma_semaphore, #tpu.memory_space<semaphore_mem>>)
    %mul3A_21 = arith.constant 1000 : i32
    %mul3A_22 = arith.muli %arg1, %mul3A_21 : i32
    %lt3A = arith.constant 10 : i32
    %lt3A_23 = arith.cmpi slt, %arg1, %lt3A : i32
    %convert_element_type3A = arith.extui %lt3A_23 : i1 to i32
    %cond3A = arith.constant 0 : i32
    %cond3A_24 = arith.cmpi ne, %convert_element_type3A, %cond3A : i32
    scf.if %cond3A_24 {
      "tpu.region"() ({
        %run_scoped3A = tpu.sem_alloc : memref<!tpu.dma_semaphore, #tpu.memory_space<semaphore_mem>>
        %dma_start3A_76 = tpu.memref_slice %arg8[%mul3A_22] : memref<10000xf32, #tpu.memory_space<vmem_shared>> -> memref<1000xf32, #tpu.memory_space<vmem_shared>>
        %dma_start3A_77 = tpu.memref_slice %arg4[%mul3A_22] : memref<10000xf32, #tpu.memory_space<hbm>> -> memref<1000xf32, #tpu.memory_space<hbm>>
        tpu.enqueue_dma source(%dma_start3A_77 : memref<1000xf32, #tpu.memory_space<hbm>>) target(%dma_start3A_76 : memref<1000xf32, #tpu.memory_space<vmem_shared>>) target_semaphore(%run_scoped3A : memref<!tpu.dma_semaphore, #tpu.memory_space<semaphore_mem>>)
        %dma_wait3A_78 = tpu.memref_slice %arg8[%mul3A_22] : memref<10000xf32, #tpu.memory_space<vmem_shared>> -> memref<1000xf32, #tpu.memory_space<vmem_shared>>
        %dma_wait3A_79 = tpu.memref_slice %arg4[%mul3A_22] : memref<10000xf32, #tpu.memory_space<hbm>> -> memref<1000xf32, #tpu.memory_space<hbm>>
        tpu.wait_dma2 semaphore(%run_scoped3A : memref<!tpu.dma_semaphore, #tpu.memory_space<semaphore_mem>>) src(%dma_wait3A_79 : memref<1000xf32, #tpu.memory_space<hbm>>) dst(%dma_wait3A_78 : memref<1000xf32, #tpu.memory_space<vmem_shared>>)
        tpu.yield
      }) : () -> ()
    } else {
    }
    %lt3A_25 = arith.constant 4 : i32
    %lt3A_26 = arith.cmpi slt, %add3A, %lt3A_25 : i32
    %convert_element_type3A_27 = arith.extui %lt3A_26 : i1 to i32
    %cond3A_28 = arith.constant 1 : i32
    %cond3A_29 = arith.constant 0 : i32
    %cond3A_30 = arith.cmpi ne, %convert_element_type3A_27, %cond3A_29 : i32
    scf.if %cond3A_30 {
      %add3A_76 = arith.constant 2496 : i32
      %add3A_77 = arith.addi %add3A_76, %add3A : i32
      "tpu.region"() ({
        %run_scoped3A = tpu.sem_alloc : memref<!tpu.dma_semaphore, #tpu.memory_space<semaphore_mem>>
        %dma_start3A_78 = arith.constant 78 : i32
        %dma_start3A_79 = arith.constant 0 : i32
        %dma_start3A_80 = tpu.memref_slice %arg6[%dma_start3A_78, %dma_start3A_79] : memref<79x128xi32, #tpu.memory_space<vmem>> -> memref<1x128xi32, #tpu.memory_space<vmem>>
        %dma_start3A_81 = arith.constant 0 : i32
        %dma_start3A_82 = arith.constant 0 : i32
        %dma_start3A_83 = tpu.memref_slice %arg2[%cond3A_28, %dma_start3A_81, %dma_start3A_82] : memref<2x2500x128xi32, #tpu.memory_space<hbm>> -> memref<1x2500x128xi32, #tpu.memory_space<hbm>>
        %dma_start3A_84 = tpu.memref_squeeze %dma_start3A_83 : memref<1x2500x128xi32, #tpu.memory_space<hbm>> -> memref<2500x128xi32, #tpu.memory_space<hbm>>
        %dma_start3A_85 = arith.constant 0 : i32
        %dma_start3A_86 = tpu.memref_slice %dma_start3A_84[%add3A_77, %dma_start3A_85] : memref<2500x128xi32, #tpu.memory_space<hbm>> -> memref<1x128xi32, #tpu.memory_space<hbm>>
        %dma_start3A_87 = arith.constant 78 : i32
        %dma_start3A_88 = arith.constant 0 : i32
        %dma_start3A_89 = tpu.memref_slice %arg6[%dma_start3A_87, %dma_start3A_88] : memref<79x128xi32, #tpu.memory_space<vmem>> -> memref<1x128xi32, #tpu.memory_space<vmem>>
        %dma_start3A_90 = arith.constant 0 : i32
        %dma_start3A_91 = arith.constant 0 : i32
        %dma_start3A_92 = tpu.memref_slice %arg2[%cond3A_28, %dma_start3A_90, %dma_start3A_91] : memref<2x2500x128xi32, #tpu.memory_space<hbm>> -> memref<1x2500x128xi32, #tpu.memory_space<hbm>>
        %dma_start3A_93 = tpu.memref_squeeze %dma_start3A_92 : memref<1x2500x128xi32, #tpu.memory_space<hbm>> -> memref<2500x128xi32, #tpu.memory_space<hbm>>
        %dma_start3A_94 = arith.constant 0 : i32
        %dma_start3A_95 = tpu.memref_slice %dma_start3A_93[%add3A_77, %dma_start3A_94] : memref<2500x128xi32, #tpu.memory_space<hbm>> -> memref<1x128xi32, #tpu.memory_space<hbm>>
        tpu.enqueue_dma source(%dma_start3A_95 : memref<1x128xi32, #tpu.memory_space<hbm>>) target(%dma_start3A_89 : memref<1x128xi32, #tpu.memory_space<vmem>>) target_semaphore(%run_scoped3A : memref<!tpu.dma_semaphore, #tpu.memory_space<semaphore_mem>>)
        %dma_wait3A_96 = arith.constant 78 : i32
        %dma_wait3A_97 = arith.constant 0 : i32
        %dma_wait3A_98 = tpu.memref_slice %arg6[%dma_wait3A_96, %dma_wait3A_97] : memref<79x128xi32, #tpu.memory_space<vmem>> -> memref<1x128xi32, #tpu.memory_space<vmem>>
        %dma_wait3A_99 = arith.constant 0 : i32
        %dma_wait3A_100 = arith.constant 0 : i32
        %dma_wait3A_101 = tpu.memref_slice %arg2[%cond3A_28, %dma_wait3A_99, %dma_wait3A_100] : memref<2x2500x128xi32, #tpu.memory_space<hbm>> -> memref<1x2500x128xi32, #tpu.memory_space<hbm>>
        %dma_wait3A_102 = tpu.memref_squeeze %dma_wait3A_101 : memref<1x2500x128xi32, #tpu.memory_space<hbm>> -> memref<2500x128xi32, #tpu.memory_space<hbm>>
        %dma_wait3A_103 = arith.constant 0 : i32
        %dma_wait3A_104 = tpu.memref_slice %dma_wait3A_102[%add3A_77, %dma_wait3A_103] : memref<2500x128xi32, #tpu.memory_space<hbm>> -> memref<1x128xi32, #tpu.memory_space<hbm>>
        %dma_wait3A_105 = arith.constant 78 : i32
        %dma_wait3A_106 = arith.constant 0 : i32
        %dma_wait3A_107 = tpu.memref_slice %arg6[%dma_wait3A_105, %dma_wait3A_106] : memref<79x128xi32, #tpu.memory_space<vmem>> -> memref<1x128xi32, #tpu.memory_space<vmem>>
        %dma_wait3A_108 = arith.constant 0 : i32
        %dma_wait3A_109 = arith.constant 0 : i32
        %dma_wait3A_110 = tpu.memref_slice %arg2[%cond3A_28, %dma_wait3A_108, %dma_wait3A_109] : memref<2x2500x128xi32, #tpu.memory_space<hbm>> -> memref<1x2500x128xi32, #tpu.memory_space<hbm>>
        %dma_wait3A_111 = tpu.memref_squeeze %dma_wait3A_110 : memref<1x2500x128xi32, #tpu.memory_space<hbm>> -> memref<2500x128xi32, #tpu.memory_space<hbm>>
        %dma_wait3A_112 = arith.constant 0 : i32
        %dma_wait3A_113 = tpu.memref_slice %dma_wait3A_111[%add3A_77, %dma_wait3A_112] : memref<2500x128xi32, #tpu.memory_space<hbm>> -> memref<1x128xi32, #tpu.memory_space<hbm>>
        tpu.wait_dma2 semaphore(%run_scoped3A : memref<!tpu.dma_semaphore, #tpu.memory_space<semaphore_mem>>) src(%dma_wait3A_113 : memref<1x128xi32, #tpu.memory_space<hbm>>) dst(%dma_wait3A_107 : memref<1x128xi32, #tpu.memory_space<vmem>>)
        tpu.yield
      }) : () -> ()
    } else {
    }
    %dma_wait3A = arith.constant 1 : i32
    %dma_wait3A_31 = arith.constant 0 : i32
    %dma_wait3A_32 = arith.constant 0 : i32
    %dma_wait3A_33 = tpu.memref_slice %arg6[%dma_wait3A_31, %dma_wait3A_32] : memref<79x128xi32, #tpu.memory_space<vmem>> -> memref<78x128xi32, #tpu.memory_space<vmem>>
    %dma_wait3A_34 = arith.constant 0 : i32
    %dma_wait3A_35 = arith.constant 0 : i32
    %dma_wait3A_36 = tpu.memref_slice %arg2[%dma_wait3A, %dma_wait3A_34, %dma_wait3A_35] : memref<2x2500x128xi32, #tpu.memory_space<hbm>> -> memref<1x2500x128xi32, #tpu.memory_space<hbm>>
    %dma_wait3A_37 = tpu.memref_squeeze %dma_wait3A_36 : memref<1x2500x128xi32, #tpu.memory_space<hbm>> -> memref<2500x128xi32, #tpu.memory_space<hbm>>
    %dma_wait3A_38 = arith.constant 0 : i32
    %dma_wait3A_39 = tpu.memref_slice %dma_wait3A_37[%mul3A_2, %dma_wait3A_38] : memref<2500x128xi32, #tpu.memory_space<hbm>> -> memref<78x128xi32, #tpu.memory_space<hbm>>
    %dma_wait3A_40 = arith.constant 0 : i32
    %dma_wait3A_41 = arith.constant 0 : i32
    %dma_wait3A_42 = tpu.memref_slice %arg6[%dma_wait3A_40, %dma_wait3A_41] : memref<79x128xi32, #tpu.memory_space<vmem>> -> memref<78x128xi32, #tpu.memory_space<vmem>>
    %dma_wait3A_43 = arith.constant 0 : i32
    %dma_wait3A_44 = arith.constant 0 : i32
    %dma_wait3A_45 = tpu.memref_slice %arg2[%dma_wait3A, %dma_wait3A_43, %dma_wait3A_44] : memref<2x2500x128xi32, #tpu.memory_space<hbm>> -> memref<1x2500x128xi32, #tpu.memory_space<hbm>>
    %dma_wait3A_46 = tpu.memref_squeeze %dma_wait3A_45 : memref<1x2500x128xi32, #tpu.memory_space<hbm>> -> memref<2500x128xi32, #tpu.memory_space<hbm>>
    %dma_wait3A_47 = arith.constant 0 : i32
    %dma_wait3A_48 = tpu.memref_slice %dma_wait3A_46[%mul3A_2, %dma_wait3A_47] : memref<2500x128xi32, #tpu.memory_space<hbm>> -> memref<78x128xi32, #tpu.memory_space<hbm>>
    tpu.wait_dma2 semaphore(%arg10 : memref<!tpu.dma_semaphore, #tpu.memory_space<semaphore_mem>>) src(%dma_wait3A_48 : memref<78x128xi32, #tpu.memory_space<hbm>>) dst(%dma_wait3A_42 : memref<78x128xi32, #tpu.memory_space<vmem>>)
    tpu.wait_dma2 semaphore(%arg10 : memref<!tpu.dma_semaphore, #tpu.memory_space<semaphore_mem>>) src(%arg3 : memref<128xf32, #tpu.memory_space<hbm>>) dst(%arg7 : memref<128xf32, #tpu.memory_space<vmem>>)
    %barrier3A = arith.constant 0 : index
    tpu.barrier barrier_id(%barrier3A)
    %scan3A = arith.constant 0 : i32
    %scan3A_49 = arith.constant 0 : i32
    %scan3A_50 = arith.constant 78 : i32
    %scan3A_51 = arith.addi %scan3A_49, %scan3A_50 : i32
    %scan3A_52 = arith.constant 1 : i32
    scf.for %scan3A_76 = %scan3A_49 to %scan3A_51 step %scan3A_52  : i32 {
      %dma_start3A_77 = arith.constant 0 : i32
      %dma_start3A_78 = tpu.memref_slice %arg6[%scan3A_76, %dma_start3A_77] : memref<79x128xi32, #tpu.memory_space<vmem>> -> memref<1x128xi32, #tpu.memory_space<vmem>>
      %dma_start3A_79 = tpu.memref_squeeze %dma_start3A_78 : memref<1x128xi32, #tpu.memory_space<vmem>> -> memref<128xi32, #tpu.memory_space<vmem>>
      %dma_start3A_80 = arith.constant 0 : i32
      %dma_start3A_81 = tpu.memref_slice %arg8[%dma_start3A_80] : memref<10000xf32, #tpu.memory_space<vmem_shared>> -> memref<10000xf32, #tpu.memory_space<vmem_shared>>
      tpu.enqueue_indirect_dma source(%arg7 : memref<128xf32, #tpu.memory_space<vmem>>) target(%dma_start3A_81 : memref<10000xf32, #tpu.memory_space<vmem_shared>>) offsets(%dma_start3A_79 : memref<128xi32, #tpu.memory_space<vmem>>) semaphore(%arg9 : memref<!tpu.dma_semaphore, #tpu.memory_space<semaphore_mem>>) {add = true}
    }
    %scan3A_53 = arith.constant 78 : i32
    %lt3A_54 = arith.constant 4 : i32
    %lt3A_55 = arith.cmpi slt, %add3A, %lt3A_54 : i32
    %convert_element_type3A_56 = arith.extui %lt3A_55 : i1 to i32
    %cond3A_57 = arith.constant 0 : i32
    %cond3A_58 = arith.cmpi ne, %convert_element_type3A_56, %cond3A_57 : i32
    scf.if %cond3A_58 {
      %dma_start3A_76 = arith.constant 78 : i32
      %dma_start3A_77 = arith.constant 0 : i32
      %dma_start3A_78 = tpu.memref_slice %arg6[%dma_start3A_76, %dma_start3A_77] : memref<79x128xi32, #tpu.memory_space<vmem>> -> memref<1x128xi32, #tpu.memory_space<vmem>>
      %dma_start3A_79 = tpu.memref_squeeze %dma_start3A_78 : memref<1x128xi32, #tpu.memory_space<vmem>> -> memref<128xi32, #tpu.memory_space<vmem>>
      %dma_start3A_80 = arith.constant 0 : i32
      %dma_start3A_81 = tpu.memref_slice %arg8[%dma_start3A_80] : memref<10000xf32, #tpu.memory_space<vmem_shared>> -> memref<10000xf32, #tpu.memory_space<vmem_shared>>
      tpu.enqueue_indirect_dma source(%arg7 : memref<128xf32, #tpu.memory_space<vmem>>) target(%dma_start3A_81 : memref<10000xf32, #tpu.memory_space<vmem_shared>>) offsets(%dma_start3A_79 : memref<128xi32, #tpu.memory_space<vmem>>) semaphore(%arg9 : memref<!tpu.dma_semaphore, #tpu.memory_space<semaphore_mem>>) {add = true}
    } else {
    }
    %scan3A_59 = arith.constant 0 : i32
    %scan3A_60 = arith.constant 0 : i32
    %scan3A_61 = arith.constant 78 : i32
    %scan3A_62 = arith.addi %scan3A_60, %scan3A_61 : i32
    %scan3A_63 = arith.constant 1 : i32
    scf.for %scan3A_76 = %scan3A_60 to %scan3A_62 step %scan3A_63  : i32 {
      %dma_wait3A_77 = arith.constant 0 : i32
      %dma_wait3A_78 = arith.constant 0 : i32
      %dma_wait3A_79 = tpu.memref_slice %arg6[%dma_wait3A_77, %dma_wait3A_78] : memref<79x128xi32, #tpu.memory_space<vmem>> -> memref<1x128xi32, #tpu.memory_space<vmem>>
      %dma_wait3A_80 = tpu.memref_squeeze %dma_wait3A_79 : memref<1x128xi32, #tpu.memory_space<vmem>> -> memref<128xi32, #tpu.memory_space<vmem>>
      %dma_wait3A_81 = arith.constant 0 : i32
      %dma_wait3A_82 = tpu.memref_slice %arg8[%dma_wait3A_81] : memref<10000xf32, #tpu.memory_space<vmem_shared>> -> memref<10000xf32, #tpu.memory_space<vmem_shared>>
      tpu.wait_indirect_dma semaphore(%arg9 : memref<!tpu.dma_semaphore, #tpu.memory_space<semaphore_mem>>) src(%arg7 : memref<128xf32, #tpu.memory_space<vmem>>) dst(%dma_wait3A_82 : memref<10000xf32, #tpu.memory_space<vmem_shared>>)
    }
    %scan3A_64 = arith.constant 78 : i32
    %lt3A_65 = arith.constant 4 : i32
    %lt3A_66 = arith.cmpi slt, %add3A, %lt3A_65 : i32
    %convert_element_type3A_67 = arith.extui %lt3A_66 : i1 to i32
    %cond3A_68 = arith.constant 0 : i32
    %cond3A_69 = arith.cmpi ne, %convert_element_type3A_67, %cond3A_68 : i32
    scf.if %cond3A_69 {
      %dma_wait3A_76 = arith.constant 0 : i32
      %dma_wait3A_77 = arith.constant 0 : i32
      %dma_wait3A_78 = tpu.memref_slice %arg6[%dma_wait3A_76, %dma_wait3A_77] : memref<79x128xi32, #tpu.memory_space<vmem>> -> memref<1x128xi32, #tpu.memory_space<vmem>>
      %dma_wait3A_79 = tpu.memref_squeeze %dma_wait3A_78 : memref<1x128xi32, #tpu.memory_space<vmem>> -> memref<128xi32, #tpu.memory_space<vmem>>
      %dma_wait3A_80 = arith.constant 0 : i32
      %dma_wait3A_81 = tpu.memref_slice %arg8[%dma_wait3A_80] : memref<10000xf32, #tpu.memory_space<vmem_shared>> -> memref<10000xf32, #tpu.memory_space<vmem_shared>>
      tpu.wait_indirect_dma semaphore(%arg9 : memref<!tpu.dma_semaphore, #tpu.memory_space<semaphore_mem>>) src(%arg7 : memref<128xf32, #tpu.memory_space<vmem>>) dst(%dma_wait3A_81 : memref<10000xf32, #tpu.memory_space<vmem_shared>>)
    } else {
    }
    %barrier3A_70 = arith.constant 0 : index
    tpu.barrier barrier_id(%barrier3A_70)
    %lt3A_71 = arith.constant 10 : i32
    %lt3A_72 = arith.cmpi slt, %arg1, %lt3A_71 : i32
    %convert_element_type3A_73 = arith.extui %lt3A_72 : i1 to i32
    %cond3A_74 = arith.constant 0 : i32
    %cond3A_75 = arith.cmpi ne, %convert_element_type3A_73, %cond3A_74 : i32
    scf.if %cond3A_75 {
      "tpu.region"() ({
        %run_scoped3A = tpu.sem_alloc : memref<!tpu.dma_semaphore, #tpu.memory_space<semaphore_mem>>
        %dma_start3A_76 = arith.constant 0 : i32
        %dma_start3A_77 = tpu.memref_slice %arg5[%arg0, %dma_start3A_76] : memref<2x10000xf32, #tpu.memory_space<hbm>> -> memref<1x10000xf32, #tpu.memory_space<hbm>>
        %dma_start3A_78 = tpu.memref_squeeze %dma_start3A_77 : memref<1x10000xf32, #tpu.memory_space<hbm>> -> memref<10000xf32, #tpu.memory_space<hbm>>
        %dma_start3A_79 = tpu.memref_slice %dma_start3A_78[%mul3A_22] : memref<10000xf32, #tpu.memory_space<hbm>> -> memref<1000xf32, #tpu.memory_space<hbm>>
        %dma_start3A_80 = tpu.memref_slice %arg8[%mul3A_22] : memref<10000xf32, #tpu.memory_space<vmem_shared>> -> memref<1000xf32, #tpu.memory_space<vmem_shared>>
        tpu.enqueue_dma source(%dma_start3A_80 : memref<1000xf32, #tpu.memory_space<vmem_shared>>) target(%dma_start3A_79 : memref<1000xf32, #tpu.memory_space<hbm>>) target_semaphore(%run_scoped3A : memref<!tpu.dma_semaphore, #tpu.memory_space<semaphore_mem>>)
        %dma_wait3A_81 = arith.constant 0 : i32
        %dma_wait3A_82 = tpu.memref_slice %arg5[%arg0, %dma_wait3A_81] : memref<2x10000xf32, #tpu.memory_space<hbm>> -> memref<1x10000xf32, #tpu.memory_space<hbm>>
        %dma_wait3A_83 = tpu.memref_squeeze %dma_wait3A_82 : memref<1x10000xf32, #tpu.memory_space<hbm>> -> memref<10000xf32, #tpu.memory_space<hbm>>
        %dma_wait3A_84 = tpu.memref_slice %dma_wait3A_83[%mul3A_22] : memref<10000xf32, #tpu.memory_space<hbm>> -> memref<1000xf32, #tpu.memory_space<hbm>>
        %dma_wait3A_85 = tpu.memref_slice %arg8[%mul3A_22] : memref<10000xf32, #tpu.memory_space<vmem_shared>> -> memref<1000xf32, #tpu.memory_space<vmem_shared>>
        tpu.wait_dma2 semaphore(%run_scoped3A : memref<!tpu.dma_semaphore, #tpu.memory_space<semaphore_mem>>) src(%dma_wait3A_85 : memref<1000xf32, #tpu.memory_space<vmem_shared>>) dst(%dma_wait3A_84 : memref<1000xf32, #tpu.memory_space<hbm>>)
        tpu.yield
      }) : () -> ()
    } else {
    }
    return
  }
}

#map = affine_map<(d0, d1) -> (0, 0)>
#map1 = affine_map<(d0, d1) -> (0, 0, 0)>
module attributes {stable_mosaic.version = 14 : i64} {
  func.func @agg_kernel(%arg0: i32, %arg1: i32, %arg2: memref<10000x64xf32, #tpu.memory_space<hbm>>, %arg3: memref<2x2500x128xi32, #tpu.memory_space<hbm>>, %arg4: memref<10000x64xf32, #tpu.memory_space<hbm>>, %arg5: memref<2x10000x64xf32, #tpu.memory_space<hbm>>, %arg6: memref<79x128xi32, #tpu.memory_space<vmem>>, %arg7: memref<79x128xi32, #tpu.memory_space<vmem>>, %arg8: memref<2x128x64xf32, #tpu.memory_space<vmem>>, %arg9: memref<10000x64xf32, #tpu.memory_space<vmem_shared>>, %arg10: memref<10000x64xf32, #tpu.memory_space<vmem_shared>>, %arg11: memref<!tpu.dma_semaphore, #tpu.memory_space<semaphore_mem>>, %arg12: memref<!tpu.dma_semaphore, #tpu.memory_space<semaphore_mem>>, %arg13: memref<!tpu.dma_semaphore, #tpu.memory_space<semaphore_mem>>) attributes {dimension_semantics = [#tpu.dimension_semantics<core_parallel>, #tpu.dimension_semantics<subcore_parallel>], iteration_bounds = array<i64: 2, 16>, scalar_prefetch = 0 : i64, scratch_operands = 8 : i64, tpu.core_type = #tpu.core_type<sc_vector_subcore>, window_params = [{transform_indices = #map}, {transform_indices = #map1}, {transform_indices = #map}, {transform_indices = #map1}]} {
    %mul3A = arith.constant 16 : i32
    %mul3A_0 = arith.muli %arg0, %mul3A : i32
    %add3A = arith.addi %mul3A_0, %arg1 : i32
    %mul3A_1 = arith.constant 625 : i32
    %mul3A_2 = arith.muli %arg1, %mul3A_1 : i32
    %mul3A_3 = arith.constant 78 : i32
    %mul3A_4 = arith.muli %add3A, %mul3A_3 : i32
    %dma_start3A = arith.constant 0 : i32
    %dma_start3A_5 = arith.constant 0 : i32
    %dma_start3A_6 = arith.constant 0 : i32
    %dma_start3A_7 = tpu.memref_slice %arg6[%dma_start3A_5, %dma_start3A_6] : memref<79x128xi32, #tpu.memory_space<vmem>> -> memref<78x128xi32, #tpu.memory_space<vmem>>
    %dma_start3A_8 = arith.constant 0 : i32
    %dma_start3A_9 = arith.constant 0 : i32
    %dma_start3A_10 = tpu.memref_slice %arg3[%dma_start3A, %dma_start3A_8, %dma_start3A_9] : memref<2x2500x128xi32, #tpu.memory_space<hbm>> -> memref<1x2500x128xi32, #tpu.memory_space<hbm>>
    %dma_start3A_11 = tpu.memref_squeeze %dma_start3A_10 : memref<1x2500x128xi32, #tpu.memory_space<hbm>> -> memref<2500x128xi32, #tpu.memory_space<hbm>>
    %dma_start3A_12 = arith.constant 0 : i32
    %dma_start3A_13 = tpu.memref_slice %dma_start3A_11[%mul3A_4, %dma_start3A_12] : memref<2500x128xi32, #tpu.memory_space<hbm>> -> memref<78x128xi32, #tpu.memory_space<hbm>>
    %dma_start3A_14 = arith.constant 0 : i32
    %dma_start3A_15 = arith.constant 0 : i32
    %dma_start3A_16 = tpu.memref_slice %arg6[%dma_start3A_14, %dma_start3A_15] : memref<79x128xi32, #tpu.memory_space<vmem>> -> memref<78x128xi32, #tpu.memory_space<vmem>>
    %dma_start3A_17 = arith.constant 0 : i32
    %dma_start3A_18 = arith.constant 0 : i32
    %dma_start3A_19 = tpu.memref_slice %arg3[%dma_start3A, %dma_start3A_17, %dma_start3A_18] : memref<2x2500x128xi32, #tpu.memory_space<hbm>> -> memref<1x2500x128xi32, #tpu.memory_space<hbm>>
    %dma_start3A_20 = tpu.memref_squeeze %dma_start3A_19 : memref<1x2500x128xi32, #tpu.memory_space<hbm>> -> memref<2500x128xi32, #tpu.memory_space<hbm>>
    %dma_start3A_21 = arith.constant 0 : i32
    %dma_start3A_22 = tpu.memref_slice %dma_start3A_20[%mul3A_4, %dma_start3A_21] : memref<2500x128xi32, #tpu.memory_space<hbm>> -> memref<78x128xi32, #tpu.memory_space<hbm>>
    tpu.enqueue_dma source(%dma_start3A_22 : memref<78x128xi32, #tpu.memory_space<hbm>>) target(%dma_start3A_16 : memref<78x128xi32, #tpu.memory_space<vmem>>) target_semaphore(%arg13 : memref<!tpu.dma_semaphore, #tpu.memory_space<semaphore_mem>>)
    %mul3A_23 = arith.constant 78 : i32
    %mul3A_24 = arith.muli %add3A, %mul3A_23 : i32
    %dma_start3A_25 = arith.constant 1 : i32
    %dma_start3A_26 = arith.constant 0 : i32
    %dma_start3A_27 = arith.constant 0 : i32
    %dma_start3A_28 = tpu.memref_slice %arg7[%dma_start3A_26, %dma_start3A_27] : memref<79x128xi32, #tpu.memory_space<vmem>> -> memref<78x128xi32, #tpu.memory_space<vmem>>
    %dma_start3A_29 = arith.constant 0 : i32
    %dma_start3A_30 = arith.constant 0 : i32
    %dma_start3A_31 = tpu.memref_slice %arg3[%dma_start3A_25, %dma_start3A_29, %dma_start3A_30] : memref<2x2500x128xi32, #tpu.memory_space<hbm>> -> memref<1x2500x128xi32, #tpu.memory_space<hbm>>
    %dma_start3A_32 = tpu.memref_squeeze %dma_start3A_31 : memref<1x2500x128xi32, #tpu.memory_space<hbm>> -> memref<2500x128xi32, #tpu.memory_space<hbm>>
    %dma_start3A_33 = arith.constant 0 : i32
    %dma_start3A_34 = tpu.memref_slice %dma_start3A_32[%mul3A_24, %dma_start3A_33] : memref<2500x128xi32, #tpu.memory_space<hbm>> -> memref<78x128xi32, #tpu.memory_space<hbm>>
    %dma_start3A_35 = arith.constant 0 : i32
    %dma_start3A_36 = arith.constant 0 : i32
    %dma_start3A_37 = tpu.memref_slice %arg7[%dma_start3A_35, %dma_start3A_36] : memref<79x128xi32, #tpu.memory_space<vmem>> -> memref<78x128xi32, #tpu.memory_space<vmem>>
    %dma_start3A_38 = arith.constant 0 : i32
    %dma_start3A_39 = arith.constant 0 : i32
    %dma_start3A_40 = tpu.memref_slice %arg3[%dma_start3A_25, %dma_start3A_38, %dma_start3A_39] : memref<2x2500x128xi32, #tpu.memory_space<hbm>> -> memref<1x2500x128xi32, #tpu.memory_space<hbm>>
    %dma_start3A_41 = tpu.memref_squeeze %dma_start3A_40 : memref<1x2500x128xi32, #tpu.memory_space<hbm>> -> memref<2500x128xi32, #tpu.memory_space<hbm>>
    %dma_start3A_42 = arith.constant 0 : i32
    %dma_start3A_43 = tpu.memref_slice %dma_start3A_41[%mul3A_24, %dma_start3A_42] : memref<2500x128xi32, #tpu.memory_space<hbm>> -> memref<78x128xi32, #tpu.memory_space<hbm>>
    tpu.enqueue_dma source(%dma_start3A_43 : memref<78x128xi32, #tpu.memory_space<hbm>>) target(%dma_start3A_37 : memref<78x128xi32, #tpu.memory_space<vmem>>) target_semaphore(%arg13 : memref<!tpu.dma_semaphore, #tpu.memory_space<semaphore_mem>>)
    %dma_start3A_44 = arith.constant 0 : i32
    %dma_start3A_45 = tpu.memref_slice %arg9[%mul3A_2, %dma_start3A_44] : memref<10000x64xf32, #tpu.memory_space<vmem_shared>> -> memref<625x64xf32, #tpu.memory_space<vmem_shared>>
    %dma_start3A_46 = arith.constant 0 : i32
    %dma_start3A_47 = tpu.memref_slice %arg4[%mul3A_2, %dma_start3A_46] : memref<10000x64xf32, #tpu.memory_space<hbm>> -> memref<625x64xf32, #tpu.memory_space<hbm>>
    tpu.enqueue_dma source(%dma_start3A_47 : memref<625x64xf32, #tpu.memory_space<hbm>>) target(%dma_start3A_45 : memref<625x64xf32, #tpu.memory_space<vmem_shared>>) target_semaphore(%arg13 : memref<!tpu.dma_semaphore, #tpu.memory_space<semaphore_mem>>)
    %dma_start3A_48 = arith.constant 0 : i32
    %dma_start3A_49 = tpu.memref_slice %arg10[%mul3A_2, %dma_start3A_48] : memref<10000x64xf32, #tpu.memory_space<vmem_shared>> -> memref<625x64xf32, #tpu.memory_space<vmem_shared>>
    %dma_start3A_50 = arith.constant 0 : i32
    %dma_start3A_51 = tpu.memref_slice %arg2[%mul3A_2, %dma_start3A_50] : memref<10000x64xf32, #tpu.memory_space<hbm>> -> memref<625x64xf32, #tpu.memory_space<hbm>>
    tpu.enqueue_dma source(%dma_start3A_51 : memref<625x64xf32, #tpu.memory_space<hbm>>) target(%dma_start3A_49 : memref<625x64xf32, #tpu.memory_space<vmem_shared>>) target_semaphore(%arg13 : memref<!tpu.dma_semaphore, #tpu.memory_space<semaphore_mem>>)
    %lt3A = arith.constant 4 : i32
    %lt3A_52 = arith.cmpi slt, %add3A, %lt3A : i32
    %convert_element_type3A = arith.extui %lt3A_52 : i1 to i32
    %cond3A = arith.constant 0 : i32
    %cond3A_53 = arith.cmpi ne, %convert_element_type3A, %cond3A : i32
    scf.if %cond3A_53 {
      %add3A_122 = arith.constant 2496 : i32
      %add3A_123 = arith.addi %add3A_122, %add3A : i32
      %run_scoped3A = arith.constant 0 : i32
      "tpu.region"() ({
        %run_scoped3A_127 = tpu.sem_alloc : memref<!tpu.dma_semaphore, #tpu.memory_space<semaphore_mem>>
        %dma_start3A_128 = arith.constant 78 : i32
        %dma_start3A_129 = arith.constant 0 : i32
        %dma_start3A_130 = tpu.memref_slice %arg6[%dma_start3A_128, %dma_start3A_129] : memref<79x128xi32, #tpu.memory_space<vmem>> -> memref<1x128xi32, #tpu.memory_space<vmem>>
        %dma_start3A_131 = arith.constant 0 : i32
        %dma_start3A_132 = arith.constant 0 : i32
        %dma_start3A_133 = tpu.memref_slice %arg3[%run_scoped3A, %dma_start3A_131, %dma_start3A_132] : memref<2x2500x128xi32, #tpu.memory_space<hbm>> -> memref<1x2500x128xi32, #tpu.memory_space<hbm>>
        %dma_start3A_134 = tpu.memref_squeeze %dma_start3A_133 : memref<1x2500x128xi32, #tpu.memory_space<hbm>> -> memref<2500x128xi32, #tpu.memory_space<hbm>>
        %dma_start3A_135 = arith.constant 0 : i32
        %dma_start3A_136 = tpu.memref_slice %dma_start3A_134[%add3A_123, %dma_start3A_135] : memref<2500x128xi32, #tpu.memory_space<hbm>> -> memref<1x128xi32, #tpu.memory_space<hbm>>
        %dma_start3A_137 = arith.constant 78 : i32
        %dma_start3A_138 = arith.constant 0 : i32
        %dma_start3A_139 = tpu.memref_slice %arg6[%dma_start3A_137, %dma_start3A_138] : memref<79x128xi32, #tpu.memory_space<vmem>> -> memref<1x128xi32, #tpu.memory_space<vmem>>
        %dma_start3A_140 = arith.constant 0 : i32
        %dma_start3A_141 = arith.constant 0 : i32
        %dma_start3A_142 = tpu.memref_slice %arg3[%run_scoped3A, %dma_start3A_140, %dma_start3A_141] : memref<2x2500x128xi32, #tpu.memory_space<hbm>> -> memref<1x2500x128xi32, #tpu.memory_space<hbm>>
        %dma_start3A_143 = tpu.memref_squeeze %dma_start3A_142 : memref<1x2500x128xi32, #tpu.memory_space<hbm>> -> memref<2500x128xi32, #tpu.memory_space<hbm>>
        %dma_start3A_144 = arith.constant 0 : i32
        %dma_start3A_145 = tpu.memref_slice %dma_start3A_143[%add3A_123, %dma_start3A_144] : memref<2500x128xi32, #tpu.memory_space<hbm>> -> memref<1x128xi32, #tpu.memory_space<hbm>>
        tpu.enqueue_dma source(%dma_start3A_145 : memref<1x128xi32, #tpu.memory_space<hbm>>) target(%dma_start3A_139 : memref<1x128xi32, #tpu.memory_space<vmem>>) target_semaphore(%run_scoped3A_127 : memref<!tpu.dma_semaphore, #tpu.memory_space<semaphore_mem>>)
        %dma_wait3A_146 = arith.constant 78 : i32
        %dma_wait3A_147 = arith.constant 0 : i32
        %dma_wait3A_148 = tpu.memref_slice %arg6[%dma_wait3A_146, %dma_wait3A_147] : memref<79x128xi32, #tpu.memory_space<vmem>> -> memref<1x128xi32, #tpu.memory_space<vmem>>
        %dma_wait3A_149 = arith.constant 0 : i32
        %dma_wait3A_150 = arith.constant 0 : i32
        %dma_wait3A_151 = tpu.memref_slice %arg3[%run_scoped3A, %dma_wait3A_149, %dma_wait3A_150] : memref<2x2500x128xi32, #tpu.memory_space<hbm>> -> memref<1x2500x128xi32, #tpu.memory_space<hbm>>
        %dma_wait3A_152 = tpu.memref_squeeze %dma_wait3A_151 : memref<1x2500x128xi32, #tpu.memory_space<hbm>> -> memref<2500x128xi32, #tpu.memory_space<hbm>>
        %dma_wait3A_153 = arith.constant 0 : i32
        %dma_wait3A_154 = tpu.memref_slice %dma_wait3A_152[%add3A_123, %dma_wait3A_153] : memref<2500x128xi32, #tpu.memory_space<hbm>> -> memref<1x128xi32, #tpu.memory_space<hbm>>
        %dma_wait3A_155 = arith.constant 78 : i32
        %dma_wait3A_156 = arith.constant 0 : i32
        %dma_wait3A_157 = tpu.memref_slice %arg6[%dma_wait3A_155, %dma_wait3A_156] : memref<79x128xi32, #tpu.memory_space<vmem>> -> memref<1x128xi32, #tpu.memory_space<vmem>>
        %dma_wait3A_158 = arith.constant 0 : i32
        %dma_wait3A_159 = arith.constant 0 : i32
        %dma_wait3A_160 = tpu.memref_slice %arg3[%run_scoped3A, %dma_wait3A_158, %dma_wait3A_159] : memref<2x2500x128xi32, #tpu.memory_space<hbm>> -> memref<1x2500x128xi32, #tpu.memory_space<hbm>>
        %dma_wait3A_161 = tpu.memref_squeeze %dma_wait3A_160 : memref<1x2500x128xi32, #tpu.memory_space<hbm>> -> memref<2500x128xi32, #tpu.memory_space<hbm>>
        %dma_wait3A_162 = arith.constant 0 : i32
        %dma_wait3A_163 = tpu.memref_slice %dma_wait3A_161[%add3A_123, %dma_wait3A_162] : memref<2500x128xi32, #tpu.memory_space<hbm>> -> memref<1x128xi32, #tpu.memory_space<hbm>>
        tpu.wait_dma2 semaphore(%run_scoped3A_127 : memref<!tpu.dma_semaphore, #tpu.memory_space<semaphore_mem>>) src(%dma_wait3A_163 : memref<1x128xi32, #tpu.memory_space<hbm>>) dst(%dma_wait3A_157 : memref<1x128xi32, #tpu.memory_space<vmem>>)
        tpu.yield
      }) : () -> ()
      %add3A_124 = arith.constant 2496 : i32
      %add3A_125 = arith.addi %add3A_124, %add3A : i32
      %run_scoped3A_126 = arith.constant 1 : i32
      "tpu.region"() ({
        %run_scoped3A_127 = tpu.sem_alloc : memref<!tpu.dma_semaphore, #tpu.memory_space<semaphore_mem>>
        %dma_start3A_128 = arith.constant 78 : i32
        %dma_start3A_129 = arith.constant 0 : i32
        %dma_start3A_130 = tpu.memref_slice %arg7[%dma_start3A_128, %dma_start3A_129] : memref<79x128xi32, #tpu.memory_space<vmem>> -> memref<1x128xi32, #tpu.memory_space<vmem>>
        %dma_start3A_131 = arith.constant 0 : i32
        %dma_start3A_132 = arith.constant 0 : i32
        %dma_start3A_133 = tpu.memref_slice %arg3[%run_scoped3A_126, %dma_start3A_131, %dma_start3A_132] : memref<2x2500x128xi32, #tpu.memory_space<hbm>> -> memref<1x2500x128xi32, #tpu.memory_space<hbm>>
        %dma_start3A_134 = tpu.memref_squeeze %dma_start3A_133 : memref<1x2500x128xi32, #tpu.memory_space<hbm>> -> memref<2500x128xi32, #tpu.memory_space<hbm>>
        %dma_start3A_135 = arith.constant 0 : i32
        %dma_start3A_136 = tpu.memref_slice %dma_start3A_134[%add3A_125, %dma_start3A_135] : memref<2500x128xi32, #tpu.memory_space<hbm>> -> memref<1x128xi32, #tpu.memory_space<hbm>>
        %dma_start3A_137 = arith.constant 78 : i32
        %dma_start3A_138 = arith.constant 0 : i32
        %dma_start3A_139 = tpu.memref_slice %arg7[%dma_start3A_137, %dma_start3A_138] : memref<79x128xi32, #tpu.memory_space<vmem>> -> memref<1x128xi32, #tpu.memory_space<vmem>>
        %dma_start3A_140 = arith.constant 0 : i32
        %dma_start3A_141 = arith.constant 0 : i32
        %dma_start3A_142 = tpu.memref_slice %arg3[%run_scoped3A_126, %dma_start3A_140, %dma_start3A_141] : memref<2x2500x128xi32, #tpu.memory_space<hbm>> -> memref<1x2500x128xi32, #tpu.memory_space<hbm>>
        %dma_start3A_143 = tpu.memref_squeeze %dma_start3A_142 : memref<1x2500x128xi32, #tpu.memory_space<hbm>> -> memref<2500x128xi32, #tpu.memory_space<hbm>>
        %dma_start3A_144 = arith.constant 0 : i32
        %dma_start3A_145 = tpu.memref_slice %dma_start3A_143[%add3A_125, %dma_start3A_144] : memref<2500x128xi32, #tpu.memory_space<hbm>> -> memref<1x128xi32, #tpu.memory_space<hbm>>
        tpu.enqueue_dma source(%dma_start3A_145 : memref<1x128xi32, #tpu.memory_space<hbm>>) target(%dma_start3A_139 : memref<1x128xi32, #tpu.memory_space<vmem>>) target_semaphore(%run_scoped3A_127 : memref<!tpu.dma_semaphore, #tpu.memory_space<semaphore_mem>>)
        %dma_wait3A_146 = arith.constant 78 : i32
        %dma_wait3A_147 = arith.constant 0 : i32
        %dma_wait3A_148 = tpu.memref_slice %arg7[%dma_wait3A_146, %dma_wait3A_147] : memref<79x128xi32, #tpu.memory_space<vmem>> -> memref<1x128xi32, #tpu.memory_space<vmem>>
        %dma_wait3A_149 = arith.constant 0 : i32
        %dma_wait3A_150 = arith.constant 0 : i32
        %dma_wait3A_151 = tpu.memref_slice %arg3[%run_scoped3A_126, %dma_wait3A_149, %dma_wait3A_150] : memref<2x2500x128xi32, #tpu.memory_space<hbm>> -> memref<1x2500x128xi32, #tpu.memory_space<hbm>>
        %dma_wait3A_152 = tpu.memref_squeeze %dma_wait3A_151 : memref<1x2500x128xi32, #tpu.memory_space<hbm>> -> memref<2500x128xi32, #tpu.memory_space<hbm>>
        %dma_wait3A_153 = arith.constant 0 : i32
        %dma_wait3A_154 = tpu.memref_slice %dma_wait3A_152[%add3A_125, %dma_wait3A_153] : memref<2500x128xi32, #tpu.memory_space<hbm>> -> memref<1x128xi32, #tpu.memory_space<hbm>>
        %dma_wait3A_155 = arith.constant 78 : i32
        %dma_wait3A_156 = arith.constant 0 : i32
        %dma_wait3A_157 = tpu.memref_slice %arg7[%dma_wait3A_155, %dma_wait3A_156] : memref<79x128xi32, #tpu.memory_space<vmem>> -> memref<1x128xi32, #tpu.memory_space<vmem>>
        %dma_wait3A_158 = arith.constant 0 : i32
        %dma_wait3A_159 = arith.constant 0 : i32
        %dma_wait3A_160 = tpu.memref_slice %arg3[%run_scoped3A_126, %dma_wait3A_158, %dma_wait3A_159] : memref<2x2500x128xi32, #tpu.memory_space<hbm>> -> memref<1x2500x128xi32, #tpu.memory_space<hbm>>
        %dma_wait3A_161 = tpu.memref_squeeze %dma_wait3A_160 : memref<1x2500x128xi32, #tpu.memory_space<hbm>> -> memref<2500x128xi32, #tpu.memory_space<hbm>>
        %dma_wait3A_162 = arith.constant 0 : i32
        %dma_wait3A_163 = tpu.memref_slice %dma_wait3A_161[%add3A_125, %dma_wait3A_162] : memref<2500x128xi32, #tpu.memory_space<hbm>> -> memref<1x128xi32, #tpu.memory_space<hbm>>
        tpu.wait_dma2 semaphore(%run_scoped3A_127 : memref<!tpu.dma_semaphore, #tpu.memory_space<semaphore_mem>>) src(%dma_wait3A_163 : memref<1x128xi32, #tpu.memory_space<hbm>>) dst(%dma_wait3A_157 : memref<1x128xi32, #tpu.memory_space<vmem>>)
        tpu.yield
      }) : () -> ()
    } else {
    }
    %dma_wait3A = arith.constant 0 : i32
    %dma_wait3A_54 = arith.constant 0 : i32
    %dma_wait3A_55 = arith.constant 0 : i32
    %dma_wait3A_56 = tpu.memref_slice %arg6[%dma_wait3A_54, %dma_wait3A_55] : memref<79x128xi32, #tpu.memory_space<vmem>> -> memref<78x128xi32, #tpu.memory_space<vmem>>
    %dma_wait3A_57 = arith.constant 0 : i32
    %dma_wait3A_58 = arith.constant 0 : i32
    %dma_wait3A_59 = tpu.memref_slice %arg3[%dma_wait3A, %dma_wait3A_57, %dma_wait3A_58] : memref<2x2500x128xi32, #tpu.memory_space<hbm>> -> memref<1x2500x128xi32, #tpu.memory_space<hbm>>
    %dma_wait3A_60 = tpu.memref_squeeze %dma_wait3A_59 : memref<1x2500x128xi32, #tpu.memory_space<hbm>> -> memref<2500x128xi32, #tpu.memory_space<hbm>>
    %dma_wait3A_61 = arith.constant 0 : i32
    %dma_wait3A_62 = tpu.memref_slice %dma_wait3A_60[%mul3A_4, %dma_wait3A_61] : memref<2500x128xi32, #tpu.memory_space<hbm>> -> memref<78x128xi32, #tpu.memory_space<hbm>>
    %dma_wait3A_63 = arith.constant 0 : i32
    %dma_wait3A_64 = arith.constant 0 : i32
    %dma_wait3A_65 = tpu.memref_slice %arg6[%dma_wait3A_63, %dma_wait3A_64] : memref<79x128xi32, #tpu.memory_space<vmem>> -> memref<78x128xi32, #tpu.memory_space<vmem>>
    %dma_wait3A_66 = arith.constant 0 : i32
    %dma_wait3A_67 = arith.constant 0 : i32
    %dma_wait3A_68 = tpu.memref_slice %arg3[%dma_wait3A, %dma_wait3A_66, %dma_wait3A_67] : memref<2x2500x128xi32, #tpu.memory_space<hbm>> -> memref<1x2500x128xi32, #tpu.memory_space<hbm>>
    %dma_wait3A_69 = tpu.memref_squeeze %dma_wait3A_68 : memref<1x2500x128xi32, #tpu.memory_space<hbm>> -> memref<2500x128xi32, #tpu.memory_space<hbm>>
    %dma_wait3A_70 = arith.constant 0 : i32
    %dma_wait3A_71 = tpu.memref_slice %dma_wait3A_69[%mul3A_4, %dma_wait3A_70] : memref<2500x128xi32, #tpu.memory_space<hbm>> -> memref<78x128xi32, #tpu.memory_space<hbm>>
    tpu.wait_dma2 semaphore(%arg13 : memref<!tpu.dma_semaphore, #tpu.memory_space<semaphore_mem>>) src(%dma_wait3A_71 : memref<78x128xi32, #tpu.memory_space<hbm>>) dst(%dma_wait3A_65 : memref<78x128xi32, #tpu.memory_space<vmem>>)
    %dma_wait3A_72 = arith.constant 1 : i32
    %dma_wait3A_73 = arith.constant 0 : i32
    %dma_wait3A_74 = arith.constant 0 : i32
    %dma_wait3A_75 = tpu.memref_slice %arg7[%dma_wait3A_73, %dma_wait3A_74] : memref<79x128xi32, #tpu.memory_space<vmem>> -> memref<78x128xi32, #tpu.memory_space<vmem>>
    %dma_wait3A_76 = arith.constant 0 : i32
    %dma_wait3A_77 = arith.constant 0 : i32
    %dma_wait3A_78 = tpu.memref_slice %arg3[%dma_wait3A_72, %dma_wait3A_76, %dma_wait3A_77] : memref<2x2500x128xi32, #tpu.memory_space<hbm>> -> memref<1x2500x128xi32, #tpu.memory_space<hbm>>
    %dma_wait3A_79 = tpu.memref_squeeze %dma_wait3A_78 : memref<1x2500x128xi32, #tpu.memory_space<hbm>> -> memref<2500x128xi32, #tpu.memory_space<hbm>>
    %dma_wait3A_80 = arith.constant 0 : i32
    %dma_wait3A_81 = tpu.memref_slice %dma_wait3A_79[%mul3A_24, %dma_wait3A_80] : memref<2500x128xi32, #tpu.memory_space<hbm>> -> memref<78x128xi32, #tpu.memory_space<hbm>>
    %dma_wait3A_82 = arith.constant 0 : i32
    %dma_wait3A_83 = arith.constant 0 : i32
    %dma_wait3A_84 = tpu.memref_slice %arg7[%dma_wait3A_82, %dma_wait3A_83] : memref<79x128xi32, #tpu.memory_space<vmem>> -> memref<78x128xi32, #tpu.memory_space<vmem>>
    %dma_wait3A_85 = arith.constant 0 : i32
    %dma_wait3A_86 = arith.constant 0 : i32
    %dma_wait3A_87 = tpu.memref_slice %arg3[%dma_wait3A_72, %dma_wait3A_85, %dma_wait3A_86] : memref<2x2500x128xi32, #tpu.memory_space<hbm>> -> memref<1x2500x128xi32, #tpu.memory_space<hbm>>
    %dma_wait3A_88 = tpu.memref_squeeze %dma_wait3A_87 : memref<1x2500x128xi32, #tpu.memory_space<hbm>> -> memref<2500x128xi32, #tpu.memory_space<hbm>>
    %dma_wait3A_89 = arith.constant 0 : i32
    %dma_wait3A_90 = tpu.memref_slice %dma_wait3A_88[%mul3A_24, %dma_wait3A_89] : memref<2500x128xi32, #tpu.memory_space<hbm>> -> memref<78x128xi32, #tpu.memory_space<hbm>>
    tpu.wait_dma2 semaphore(%arg13 : memref<!tpu.dma_semaphore, #tpu.memory_space<semaphore_mem>>) src(%dma_wait3A_90 : memref<78x128xi32, #tpu.memory_space<hbm>>) dst(%dma_wait3A_84 : memref<78x128xi32, #tpu.memory_space<vmem>>)
    %dma_wait3A_91 = arith.constant 0 : i32
    %dma_wait3A_92 = tpu.memref_slice %arg9[%mul3A_2, %dma_wait3A_91] : memref<10000x64xf32, #tpu.memory_space<vmem_shared>> -> memref<625x64xf32, #tpu.memory_space<vmem_shared>>
    %dma_wait3A_93 = arith.constant 0 : i32
    %dma_wait3A_94 = tpu.memref_slice %arg4[%mul3A_2, %dma_wait3A_93] : memref<10000x64xf32, #tpu.memory_space<hbm>> -> memref<625x64xf32, #tpu.memory_space<hbm>>
    tpu.wait_dma2 semaphore(%arg13 : memref<!tpu.dma_semaphore, #tpu.memory_space<semaphore_mem>>) src(%dma_wait3A_94 : memref<625x64xf32, #tpu.memory_space<hbm>>) dst(%dma_wait3A_92 : memref<625x64xf32, #tpu.memory_space<vmem_shared>>)
    %dma_wait3A_95 = arith.constant 0 : i32
    %dma_wait3A_96 = tpu.memref_slice %arg10[%mul3A_2, %dma_wait3A_95] : memref<10000x64xf32, #tpu.memory_space<vmem_shared>> -> memref<625x64xf32, #tpu.memory_space<vmem_shared>>
    %dma_wait3A_97 = arith.constant 0 : i32
    %dma_wait3A_98 = tpu.memref_slice %arg2[%mul3A_2, %dma_wait3A_97] : memref<10000x64xf32, #tpu.memory_space<hbm>> -> memref<625x64xf32, #tpu.memory_space<hbm>>
    tpu.wait_dma2 semaphore(%arg13 : memref<!tpu.dma_semaphore, #tpu.memory_space<semaphore_mem>>) src(%dma_wait3A_98 : memref<625x64xf32, #tpu.memory_space<hbm>>) dst(%dma_wait3A_96 : memref<625x64xf32, #tpu.memory_space<vmem_shared>>)
    %barrier3A = arith.constant 0 : index
    tpu.barrier barrier_id(%barrier3A)
    %dma_start3A_99 = arith.constant 0 : i32
    %dma_start3A_100 = arith.constant 0 : i32
    %dma_start3A_101 = arith.constant 0 : i32
    %dma_start3A_102 = arith.constant 0 : i32
    %dma_start3A_103 = tpu.memref_slice %arg8[%dma_start3A_100, %dma_start3A_101, %dma_start3A_102] : memref<2x128x64xf32, #tpu.memory_space<vmem>> -> memref<1x128x64xf32, #tpu.memory_space<vmem>>
    %dma_start3A_104 = tpu.memref_squeeze %dma_start3A_103 : memref<1x128x64xf32, #tpu.memory_space<vmem>> -> memref<128x64xf32, #tpu.memory_space<vmem>>
    %dma_start3A_105 = arith.constant 0 : i32
    %dma_start3A_106 = tpu.memref_slice %arg6[%dma_start3A_99, %dma_start3A_105] : memref<79x128xi32, #tpu.memory_space<vmem>> -> memref<1x128xi32, #tpu.memory_space<vmem>>
    %dma_start3A_107 = tpu.memref_squeeze %dma_start3A_106 : memref<1x128xi32, #tpu.memory_space<vmem>> -> memref<128xi32, #tpu.memory_space<vmem>>
    %dma_start3A_108 = arith.constant 0 : i32
    %dma_start3A_109 = arith.constant 0 : i32
    %dma_start3A_110 = tpu.memref_slice %arg10[%dma_start3A_108, %dma_start3A_109] : memref<10000x64xf32, #tpu.memory_space<vmem_shared>> -> memref<10000x64xf32, #tpu.memory_space<vmem_shared>>
    tpu.enqueue_indirect_dma source(%dma_start3A_110 : memref<10000x64xf32, #tpu.memory_space<vmem_shared>>) target(%dma_start3A_104 : memref<128x64xf32, #tpu.memory_space<vmem>>) offsets(%dma_start3A_107 : memref<128xi32, #tpu.memory_space<vmem>>) semaphore(%arg11 : memref<!tpu.dma_semaphore, #tpu.memory_space<semaphore_mem>>)
    %scan3A = arith.constant 0 : i32
    %scan3A_111 = arith.constant 0 : i32
    %scan3A_112 = arith.constant 39 : i32
    %scan3A_113 = arith.addi %scan3A_111, %scan3A_112 : i32
    %scan3A_114 = arith.constant 1 : i32
    scf.for %scan3A_122 = %scan3A_111 to %scan3A_113 step %scan3A_114  : i32 {
      %mul3A_123 = arith.constant 2 : i32
      %mul3A_124 = arith.muli %scan3A_122, %mul3A_123 : i32
      %add3A_125 = arith.constant 1 : i32
      %add3A_126 = arith.addi %mul3A_124, %add3A_125 : i32
      %dma_start3A_127 = arith.constant 1 : i32
      %dma_start3A_128 = arith.constant 0 : i32
      %dma_start3A_129 = arith.constant 0 : i32
      %dma_start3A_130 = tpu.memref_slice %arg8[%dma_start3A_127, %dma_start3A_128, %dma_start3A_129] : memref<2x128x64xf32, #tpu.memory_space<vmem>> -> memref<1x128x64xf32, #tpu.memory_space<vmem>>
      %dma_start3A_131 = tpu.memref_squeeze %dma_start3A_130 : memref<1x128x64xf32, #tpu.memory_space<vmem>> -> memref<128x64xf32, #tpu.memory_space<vmem>>
      %dma_start3A_132 = arith.constant 0 : i32
      %dma_start3A_133 = tpu.memref_slice %arg6[%add3A_126, %dma_start3A_132] : memref<79x128xi32, #tpu.memory_space<vmem>> -> memref<1x128xi32, #tpu.memory_space<vmem>>
      %dma_start3A_134 = tpu.memref_squeeze %dma_start3A_133 : memref<1x128xi32, #tpu.memory_space<vmem>> -> memref<128xi32, #tpu.memory_space<vmem>>
      %dma_start3A_135 = arith.constant 0 : i32
      %dma_start3A_136 = arith.constant 0 : i32
      %dma_start3A_137 = tpu.memref_slice %arg10[%dma_start3A_135, %dma_start3A_136] : memref<10000x64xf32, #tpu.memory_space<vmem_shared>> -> memref<10000x64xf32, #tpu.memory_space<vmem_shared>>
      tpu.enqueue_indirect_dma source(%dma_start3A_137 : memref<10000x64xf32, #tpu.memory_space<vmem_shared>>) target(%dma_start3A_131 : memref<128x64xf32, #tpu.memory_space<vmem>>) offsets(%dma_start3A_134 : memref<128xi32, #tpu.memory_space<vmem>>) semaphore(%arg12 : memref<!tpu.dma_semaphore, #tpu.memory_space<semaphore_mem>>)
      %dma_wait3A_138 = arith.constant 0 : i32
      %dma_wait3A_139 = arith.constant 0 : i32
      %dma_wait3A_140 = arith.constant 0 : i32
      %dma_wait3A_141 = arith.constant 0 : i32
      %dma_wait3A_142 = tpu.memref_slice %arg8[%dma_wait3A_139, %dma_wait3A_140, %dma_wait3A_141] : memref<2x128x64xf32, #tpu.memory_space<vmem>> -> memref<1x128x64xf32, #tpu.memory_space<vmem>>
      %dma_wait3A_143 = tpu.memref_squeeze %dma_wait3A_142 : memref<1x128x64xf32, #tpu.memory_space<vmem>> -> memref<128x64xf32, #tpu.memory_space<vmem>>
      %dma_wait3A_144 = arith.constant 0 : i32
      %dma_wait3A_145 = tpu.memref_slice %arg6[%dma_wait3A_138, %dma_wait3A_144] : memref<79x128xi32, #tpu.memory_space<vmem>> -> memref<1x128xi32, #tpu.memory_space<vmem>>
      %dma_wait3A_146 = tpu.memref_squeeze %dma_wait3A_145 : memref<1x128xi32, #tpu.memory_space<vmem>> -> memref<128xi32, #tpu.memory_space<vmem>>
      %dma_wait3A_147 = arith.constant 0 : i32
      %dma_wait3A_148 = arith.constant 0 : i32
      %dma_wait3A_149 = tpu.memref_slice %arg10[%dma_wait3A_147, %dma_wait3A_148] : memref<10000x64xf32, #tpu.memory_space<vmem_shared>> -> memref<10000x64xf32, #tpu.memory_space<vmem_shared>>
      tpu.wait_indirect_dma semaphore(%arg11 : memref<!tpu.dma_semaphore, #tpu.memory_space<semaphore_mem>>) src(%dma_wait3A_149 : memref<10000x64xf32, #tpu.memory_space<vmem_shared>>) dst(%dma_wait3A_143 : memref<128x64xf32, #tpu.memory_space<vmem>>)
      %run_scoped3A = arith.constant 0 : i32
      "tpu.region"() ({
        %run_scoped3A_170 = tpu.sem_alloc : memref<!tpu.dma_semaphore, #tpu.memory_space<semaphore_mem>>
        %dma_start3A_171 = arith.constant 0 : i32
        %dma_start3A_172 = arith.constant 0 : i32
        %dma_start3A_173 = tpu.memref_slice %arg8[%run_scoped3A, %dma_start3A_171, %dma_start3A_172] : memref<2x128x64xf32, #tpu.memory_space<vmem>> -> memref<1x128x64xf32, #tpu.memory_space<vmem>>
        %dma_start3A_174 = tpu.memref_squeeze %dma_start3A_173 : memref<1x128x64xf32, #tpu.memory_space<vmem>> -> memref<128x64xf32, #tpu.memory_space<vmem>>
        %dma_start3A_175 = arith.constant 0 : i32
        %dma_start3A_176 = tpu.memref_slice %arg7[%mul3A_124, %dma_start3A_175] : memref<79x128xi32, #tpu.memory_space<vmem>> -> memref<1x128xi32, #tpu.memory_space<vmem>>
        %dma_start3A_177 = tpu.memref_squeeze %dma_start3A_176 : memref<1x128xi32, #tpu.memory_space<vmem>> -> memref<128xi32, #tpu.memory_space<vmem>>
        %dma_start3A_178 = arith.constant 0 : i32
        %dma_start3A_179 = arith.constant 0 : i32
        %dma_start3A_180 = tpu.memref_slice %arg9[%dma_start3A_178, %dma_start3A_179] : memref<10000x64xf32, #tpu.memory_space<vmem_shared>> -> memref<10000x64xf32, #tpu.memory_space<vmem_shared>>
        tpu.enqueue_indirect_dma source(%dma_start3A_174 : memref<128x64xf32, #tpu.memory_space<vmem>>) target(%dma_start3A_180 : memref<10000x64xf32, #tpu.memory_space<vmem_shared>>) offsets(%dma_start3A_177 : memref<128xi32, #tpu.memory_space<vmem>>) semaphore(%run_scoped3A_170 : memref<!tpu.dma_semaphore, #tpu.memory_space<semaphore_mem>>) {add = true}
        %dma_wait3A_181 = arith.constant 0 : i32
        %dma_wait3A_182 = arith.constant 0 : i32
        %dma_wait3A_183 = tpu.memref_slice %arg8[%run_scoped3A, %dma_wait3A_181, %dma_wait3A_182] : memref<2x128x64xf32, #tpu.memory_space<vmem>> -> memref<1x128x64xf32, #tpu.memory_space<vmem>>
        %dma_wait3A_184 = tpu.memref_squeeze %dma_wait3A_183 : memref<1x128x64xf32, #tpu.memory_space<vmem>> -> memref<128x64xf32, #tpu.memory_space<vmem>>
        %dma_wait3A_185 = arith.constant 0 : i32
        %dma_wait3A_186 = tpu.memref_slice %arg7[%mul3A_124, %dma_wait3A_185] : memref<79x128xi32, #tpu.memory_space<vmem>> -> memref<1x128xi32, #tpu.memory_space<vmem>>
        %dma_wait3A_187 = tpu.memref_squeeze %dma_wait3A_186 : memref<1x128xi32, #tpu.memory_space<vmem>> -> memref<128xi32, #tpu.memory_space<vmem>>
        %dma_wait3A_188 = arith.constant 0 : i32
        %dma_wait3A_189 = arith.constant 0 : i32
        %dma_wait3A_190 = tpu.memref_slice %arg9[%dma_wait3A_188, %dma_wait3A_189] : memref<10000x64xf32, #tpu.memory_space<vmem_shared>> -> memref<10000x64xf32, #tpu.memory_space<vmem_shared>>
        tpu.wait_indirect_dma semaphore(%run_scoped3A_170 : memref<!tpu.dma_semaphore, #tpu.memory_space<semaphore_mem>>) src(%dma_wait3A_184 : memref<128x64xf32, #tpu.memory_space<vmem>>) dst(%dma_wait3A_190 : memref<10000x64xf32, #tpu.memory_space<vmem_shared>>)
        tpu.yield
      }) : () -> ()
      %dma_wait3A_150 = arith.constant 0 : i32
      %dma_wait3A_151 = arith.constant 1 : i32
      %dma_wait3A_152 = arith.constant 0 : i32
      %dma_wait3A_153 = arith.constant 0 : i32
      %dma_wait3A_154 = tpu.memref_slice %arg8[%dma_wait3A_151, %dma_wait3A_152, %dma_wait3A_153] : memref<2x128x64xf32, #tpu.memory_space<vmem>> -> memref<1x128x64xf32, #tpu.memory_space<vmem>>
      %dma_wait3A_155 = tpu.memref_squeeze %dma_wait3A_154 : memref<1x128x64xf32, #tpu.memory_space<vmem>> -> memref<128x64xf32, #tpu.memory_space<vmem>>
      %dma_wait3A_156 = arith.constant 0 : i32
      %dma_wait3A_157 = tpu.memref_slice %arg6[%dma_wait3A_150, %dma_wait3A_156] : memref<79x128xi32, #tpu.memory_space<vmem>> -> memref<1x128xi32, #tpu.memory_space<vmem>>
      %dma_wait3A_158 = tpu.memref_squeeze %dma_wait3A_157 : memref<1x128xi32, #tpu.memory_space<vmem>> -> memref<128xi32, #tpu.memory_space<vmem>>
      %dma_wait3A_159 = arith.constant 0 : i32
      %dma_wait3A_160 = arith.constant 0 : i32
      %dma_wait3A_161 = tpu.memref_slice %arg10[%dma_wait3A_159, %dma_wait3A_160] : memref<10000x64xf32, #tpu.memory_space<vmem_shared>> -> memref<10000x64xf32, #tpu.memory_space<vmem_shared>>
      tpu.wait_indirect_dma semaphore(%arg12 : memref<!tpu.dma_semaphore, #tpu.memory_space<semaphore_mem>>) src(%dma_wait3A_161 : memref<10000x64xf32, #tpu.memory_space<vmem_shared>>) dst(%dma_wait3A_155 : memref<128x64xf32, #tpu.memory_space<vmem>>)
      %lt3A_162 = arith.constant 38 : i32
      %lt3A_163 = arith.cmpi slt, %scan3A_122, %lt3A_162 : i32
      %convert_element_type3A_164 = arith.extui %lt3A_163 : i1 to i32
      %cond3A_165 = arith.constant 0 : i32
      %cond3A_166 = arith.cmpi ne, %convert_element_type3A_164, %cond3A_165 : i32
      scf.if %cond3A_166 {
        %add3A_170 = arith.constant 2 : i32
        %add3A_171 = arith.addi %mul3A_124, %add3A_170 : i32
        %dma_start3A_172 = arith.constant 0 : i32
        %dma_start3A_173 = arith.constant 0 : i32
        %dma_start3A_174 = arith.constant 0 : i32
        %dma_start3A_175 = tpu.memref_slice %arg8[%dma_start3A_172, %dma_start3A_173, %dma_start3A_174] : memref<2x128x64xf32, #tpu.memory_space<vmem>> -> memref<1x128x64xf32, #tpu.memory_space<vmem>>
        %dma_start3A_176 = tpu.memref_squeeze %dma_start3A_175 : memref<1x128x64xf32, #tpu.memory_space<vmem>> -> memref<128x64xf32, #tpu.memory_space<vmem>>
        %dma_start3A_177 = arith.constant 0 : i32
        %dma_start3A_178 = tpu.memref_slice %arg6[%add3A_171, %dma_start3A_177] : memref<79x128xi32, #tpu.memory_space<vmem>> -> memref<1x128xi32, #tpu.memory_space<vmem>>
        %dma_start3A_179 = tpu.memref_squeeze %dma_start3A_178 : memref<1x128xi32, #tpu.memory_space<vmem>> -> memref<128xi32, #tpu.memory_space<vmem>>
        %dma_start3A_180 = arith.constant 0 : i32
        %dma_start3A_181 = arith.constant 0 : i32
        %dma_start3A_182 = tpu.memref_slice %arg10[%dma_start3A_180, %dma_start3A_181] : memref<10000x64xf32, #tpu.memory_space<vmem_shared>> -> memref<10000x64xf32, #tpu.memory_space<vmem_shared>>
        tpu.enqueue_indirect_dma source(%dma_start3A_182 : memref<10000x64xf32, #tpu.memory_space<vmem_shared>>) target(%dma_start3A_176 : memref<128x64xf32, #tpu.memory_space<vmem>>) offsets(%dma_start3A_179 : memref<128xi32, #tpu.memory_space<vmem>>) semaphore(%arg11 : memref<!tpu.dma_semaphore, #tpu.memory_space<semaphore_mem>>)
      } else {
      }
      %add3A_167 = arith.constant 1 : i32
      %add3A_168 = arith.addi %mul3A_124, %add3A_167 : i32
      %run_scoped3A_169 = arith.constant 1 : i32
      "tpu.region"() ({
        %run_scoped3A_170 = tpu.sem_alloc : memref<!tpu.dma_semaphore, #tpu.memory_space<semaphore_mem>>
        %dma_start3A_171 = arith.constant 0 : i32
        %dma_start3A_172 = arith.constant 0 : i32
        %dma_start3A_173 = tpu.memref_slice %arg8[%run_scoped3A_169, %dma_start3A_171, %dma_start3A_172] : memref<2x128x64xf32, #tpu.memory_space<vmem>> -> memref<1x128x64xf32, #tpu.memory_space<vmem>>
        %dma_start3A_174 = tpu.memref_squeeze %dma_start3A_173 : memref<1x128x64xf32, #tpu.memory_space<vmem>> -> memref<128x64xf32, #tpu.memory_space<vmem>>
        %dma_start3A_175 = arith.constant 0 : i32
        %dma_start3A_176 = tpu.memref_slice %arg7[%add3A_168, %dma_start3A_175] : memref<79x128xi32, #tpu.memory_space<vmem>> -> memref<1x128xi32, #tpu.memory_space<vmem>>
        %dma_start3A_177 = tpu.memref_squeeze %dma_start3A_176 : memref<1x128xi32, #tpu.memory_space<vmem>> -> memref<128xi32, #tpu.memory_space<vmem>>
        %dma_start3A_178 = arith.constant 0 : i32
        %dma_start3A_179 = arith.constant 0 : i32
        %dma_start3A_180 = tpu.memref_slice %arg9[%dma_start3A_178, %dma_start3A_179] : memref<10000x64xf32, #tpu.memory_space<vmem_shared>> -> memref<10000x64xf32, #tpu.memory_space<vmem_shared>>
        tpu.enqueue_indirect_dma source(%dma_start3A_174 : memref<128x64xf32, #tpu.memory_space<vmem>>) target(%dma_start3A_180 : memref<10000x64xf32, #tpu.memory_space<vmem_shared>>) offsets(%dma_start3A_177 : memref<128xi32, #tpu.memory_space<vmem>>) semaphore(%run_scoped3A_170 : memref<!tpu.dma_semaphore, #tpu.memory_space<semaphore_mem>>) {add = true}
        %dma_wait3A_181 = arith.constant 0 : i32
        %dma_wait3A_182 = arith.constant 0 : i32
        %dma_wait3A_183 = tpu.memref_slice %arg8[%run_scoped3A_169, %dma_wait3A_181, %dma_wait3A_182] : memref<2x128x64xf32, #tpu.memory_space<vmem>> -> memref<1x128x64xf32, #tpu.memory_space<vmem>>
        %dma_wait3A_184 = tpu.memref_squeeze %dma_wait3A_183 : memref<1x128x64xf32, #tpu.memory_space<vmem>> -> memref<128x64xf32, #tpu.memory_space<vmem>>
        %dma_wait3A_185 = arith.constant 0 : i32
        %dma_wait3A_186 = tpu.memref_slice %arg7[%add3A_168, %dma_wait3A_185] : memref<79x128xi32, #tpu.memory_space<vmem>> -> memref<1x128xi32, #tpu.memory_space<vmem>>
        %dma_wait3A_187 = tpu.memref_squeeze %dma_wait3A_186 : memref<1x128xi32, #tpu.memory_space<vmem>> -> memref<128xi32, #tpu.memory_space<vmem>>
        %dma_wait3A_188 = arith.constant 0 : i32
        %dma_wait3A_189 = arith.constant 0 : i32
        %dma_wait3A_190 = tpu.memref_slice %arg9[%dma_wait3A_188, %dma_wait3A_189] : memref<10000x64xf32, #tpu.memory_space<vmem_shared>> -> memref<10000x64xf32, #tpu.memory_space<vmem_shared>>
        tpu.wait_indirect_dma semaphore(%run_scoped3A_170 : memref<!tpu.dma_semaphore, #tpu.memory_space<semaphore_mem>>) src(%dma_wait3A_184 : memref<128x64xf32, #tpu.memory_space<vmem>>) dst(%dma_wait3A_190 : memref<10000x64xf32, #tpu.memory_space<vmem_shared>>)
        tpu.yield
      }) : () -> ()
    }
    %scan3A_115 = arith.constant 39 : i32
    %lt3A_116 = arith.constant 4 : i32
    %lt3A_117 = arith.cmpi slt, %add3A, %lt3A_116 : i32
    %convert_element_type3A_118 = arith.extui %lt3A_117 : i1 to i32
    %cond3A_119 = arith.constant 0 : i32
    %cond3A_120 = arith.cmpi ne, %convert_element_type3A_118, %cond3A_119 : i32
    scf.if %cond3A_120 {
      %dma_start3A_122 = arith.constant 78 : i32
      %dma_start3A_123 = arith.constant 0 : i32
      %dma_start3A_124 = arith.constant 0 : i32
      %dma_start3A_125 = arith.constant 0 : i32
      %dma_start3A_126 = tpu.memref_slice %arg8[%dma_start3A_123, %dma_start3A_124, %dma_start3A_125] : memref<2x128x64xf32, #tpu.memory_space<vmem>> -> memref<1x128x64xf32, #tpu.memory_space<vmem>>
      %dma_start3A_127 = tpu.memref_squeeze %dma_start3A_126 : memref<1x128x64xf32, #tpu.memory_space<vmem>> -> memref<128x64xf32, #tpu.memory_space<vmem>>
      %dma_start3A_128 = arith.constant 0 : i32
      %dma_start3A_129 = tpu.memref_slice %arg6[%dma_start3A_122, %dma_start3A_128] : memref<79x128xi32, #tpu.memory_space<vmem>> -> memref<1x128xi32, #tpu.memory_space<vmem>>
      %dma_start3A_130 = tpu.memref_squeeze %dma_start3A_129 : memref<1x128xi32, #tpu.memory_space<vmem>> -> memref<128xi32, #tpu.memory_space<vmem>>
      %dma_start3A_131 = arith.constant 0 : i32
      %dma_start3A_132 = arith.constant 0 : i32
      %dma_start3A_133 = tpu.memref_slice %arg10[%dma_start3A_131, %dma_start3A_132] : memref<10000x64xf32, #tpu.memory_space<vmem_shared>> -> memref<10000x64xf32, #tpu.memory_space<vmem_shared>>
      tpu.enqueue_indirect_dma source(%dma_start3A_133 : memref<10000x64xf32, #tpu.memory_space<vmem_shared>>) target(%dma_start3A_127 : memref<128x64xf32, #tpu.memory_space<vmem>>) offsets(%dma_start3A_130 : memref<128xi32, #tpu.memory_space<vmem>>) semaphore(%arg11 : memref<!tpu.dma_semaphore, #tpu.memory_space<semaphore_mem>>)
      %dma_wait3A_134 = arith.constant 0 : i32
      %dma_wait3A_135 = arith.constant 0 : i32
      %dma_wait3A_136 = arith.constant 0 : i32
      %dma_wait3A_137 = arith.constant 0 : i32
      %dma_wait3A_138 = tpu.memref_slice %arg8[%dma_wait3A_135, %dma_wait3A_136, %dma_wait3A_137] : memref<2x128x64xf32, #tpu.memory_space<vmem>> -> memref<1x128x64xf32, #tpu.memory_space<vmem>>
      %dma_wait3A_139 = tpu.memref_squeeze %dma_wait3A_138 : memref<1x128x64xf32, #tpu.memory_space<vmem>> -> memref<128x64xf32, #tpu.memory_space<vmem>>
      %dma_wait3A_140 = arith.constant 0 : i32
      %dma_wait3A_141 = tpu.memref_slice %arg6[%dma_wait3A_134, %dma_wait3A_140] : memref<79x128xi32, #tpu.memory_space<vmem>> -> memref<1x128xi32, #tpu.memory_space<vmem>>
      %dma_wait3A_142 = tpu.memref_squeeze %dma_wait3A_141 : memref<1x128xi32, #tpu.memory_space<vmem>> -> memref<128xi32, #tpu.memory_space<vmem>>
      %dma_wait3A_143 = arith.constant 0 : i32
      %dma_wait3A_144 = arith.constant 0 : i32
      %dma_wait3A_145 = tpu.memref_slice %arg10[%dma_wait3A_143, %dma_wait3A_144] : memref<10000x64xf32, #tpu.memory_space<vmem_shared>> -> memref<10000x64xf32, #tpu.memory_space<vmem_shared>>
      tpu.wait_indirect_dma semaphore(%arg11 : memref<!tpu.dma_semaphore, #tpu.memory_space<semaphore_mem>>) src(%dma_wait3A_145 : memref<10000x64xf32, #tpu.memory_space<vmem_shared>>) dst(%dma_wait3A_139 : memref<128x64xf32, #tpu.memory_space<vmem>>)
      %run_scoped3A = arith.constant 0 : i32
      %run_scoped3A_146 = arith.constant 78 : i32
      "tpu.region"() ({
        %run_scoped3A_147 = tpu.sem_alloc : memref<!tpu.dma_semaphore, #tpu.memory_space<semaphore_mem>>
        %dma_start3A_148 = arith.constant 0 : i32
        %dma_start3A_149 = arith.constant 0 : i32
        %dma_start3A_150 = tpu.memref_slice %arg8[%run_scoped3A, %dma_start3A_148, %dma_start3A_149] : memref<2x128x64xf32, #tpu.memory_space<vmem>> -> memref<1x128x64xf32, #tpu.memory_space<vmem>>
        %dma_start3A_151 = tpu.memref_squeeze %dma_start3A_150 : memref<1x128x64xf32, #tpu.memory_space<vmem>> -> memref<128x64xf32, #tpu.memory_space<vmem>>
        %dma_start3A_152 = arith.constant 0 : i32
        %dma_start3A_153 = tpu.memref_slice %arg7[%run_scoped3A_146, %dma_start3A_152] : memref<79x128xi32, #tpu.memory_space<vmem>> -> memref<1x128xi32, #tpu.memory_space<vmem>>
        %dma_start3A_154 = tpu.memref_squeeze %dma_start3A_153 : memref<1x128xi32, #tpu.memory_space<vmem>> -> memref<128xi32, #tpu.memory_space<vmem>>
        %dma_start3A_155 = arith.constant 0 : i32
        %dma_start3A_156 = arith.constant 0 : i32
        %dma_start3A_157 = tpu.memref_slice %arg9[%dma_start3A_155, %dma_start3A_156] : memref<10000x64xf32, #tpu.memory_space<vmem_shared>> -> memref<10000x64xf32, #tpu.memory_space<vmem_shared>>
        tpu.enqueue_indirect_dma source(%dma_start3A_151 : memref<128x64xf32, #tpu.memory_space<vmem>>) target(%dma_start3A_157 : memref<10000x64xf32, #tpu.memory_space<vmem_shared>>) offsets(%dma_start3A_154 : memref<128xi32, #tpu.memory_space<vmem>>) semaphore(%run_scoped3A_147 : memref<!tpu.dma_semaphore, #tpu.memory_space<semaphore_mem>>) {add = true}
        %dma_wait3A_158 = arith.constant 0 : i32
        %dma_wait3A_159 = arith.constant 0 : i32
        %dma_wait3A_160 = tpu.memref_slice %arg8[%run_scoped3A, %dma_wait3A_158, %dma_wait3A_159] : memref<2x128x64xf32, #tpu.memory_space<vmem>> -> memref<1x128x64xf32, #tpu.memory_space<vmem>>
        %dma_wait3A_161 = tpu.memref_squeeze %dma_wait3A_160 : memref<1x128x64xf32, #tpu.memory_space<vmem>> -> memref<128x64xf32, #tpu.memory_space<vmem>>
        %dma_wait3A_162 = arith.constant 0 : i32
        %dma_wait3A_163 = tpu.memref_slice %arg7[%run_scoped3A_146, %dma_wait3A_162] : memref<79x128xi32, #tpu.memory_space<vmem>> -> memref<1x128xi32, #tpu.memory_space<vmem>>
        %dma_wait3A_164 = tpu.memref_squeeze %dma_wait3A_163 : memref<1x128xi32, #tpu.memory_space<vmem>> -> memref<128xi32, #tpu.memory_space<vmem>>
        %dma_wait3A_165 = arith.constant 0 : i32
        %dma_wait3A_166 = arith.constant 0 : i32
        %dma_wait3A_167 = tpu.memref_slice %arg9[%dma_wait3A_165, %dma_wait3A_166] : memref<10000x64xf32, #tpu.memory_space<vmem_shared>> -> memref<10000x64xf32, #tpu.memory_space<vmem_shared>>
        tpu.wait_indirect_dma semaphore(%run_scoped3A_147 : memref<!tpu.dma_semaphore, #tpu.memory_space<semaphore_mem>>) src(%dma_wait3A_161 : memref<128x64xf32, #tpu.memory_space<vmem>>) dst(%dma_wait3A_167 : memref<10000x64xf32, #tpu.memory_space<vmem_shared>>)
        tpu.yield
      }) : () -> ()
    } else {
    }
    %barrier3A_121 = arith.constant 0 : index
    tpu.barrier barrier_id(%barrier3A_121)
    "tpu.region"() ({
      %run_scoped3A = tpu.sem_alloc : memref<!tpu.dma_semaphore, #tpu.memory_space<semaphore_mem>>
      %dma_start3A_122 = arith.constant 0 : i32
      %dma_start3A_123 = arith.constant 0 : i32
      %dma_start3A_124 = tpu.memref_slice %arg5[%arg0, %dma_start3A_122, %dma_start3A_123] : memref<2x10000x64xf32, #tpu.memory_space<hbm>> -> memref<1x10000x64xf32, #tpu.memory_space<hbm>>
      %dma_start3A_125 = tpu.memref_squeeze %dma_start3A_124 : memref<1x10000x64xf32, #tpu.memory_space<hbm>> -> memref<10000x64xf32, #tpu.memory_space<hbm>>
      %dma_start3A_126 = arith.constant 0 : i32
      %dma_start3A_127 = tpu.memref_slice %dma_start3A_125[%mul3A_2, %dma_start3A_126] : memref<10000x64xf32, #tpu.memory_space<hbm>> -> memref<625x64xf32, #tpu.memory_space<hbm>>
      %dma_start3A_128 = arith.constant 0 : i32
      %dma_start3A_129 = tpu.memref_slice %arg9[%mul3A_2, %dma_start3A_128] : memref<10000x64xf32, #tpu.memory_space<vmem_shared>> -> memref<625x64xf32, #tpu.memory_space<vmem_shared>>
      tpu.enqueue_dma source(%dma_start3A_129 : memref<625x64xf32, #tpu.memory_space<vmem_shared>>) target(%dma_start3A_127 : memref<625x64xf32, #tpu.memory_space<hbm>>) target_semaphore(%run_scoped3A : memref<!tpu.dma_semaphore, #tpu.memory_space<semaphore_mem>>)
      %dma_wait3A_130 = arith.constant 0 : i32
      %dma_wait3A_131 = arith.constant 0 : i32
      %dma_wait3A_132 = tpu.memref_slice %arg5[%arg0, %dma_wait3A_130, %dma_wait3A_131] : memref<2x10000x64xf32, #tpu.memory_space<hbm>> -> memref<1x10000x64xf32, #tpu.memory_space<hbm>>
      %dma_wait3A_133 = tpu.memref_squeeze %dma_wait3A_132 : memref<1x10000x64xf32, #tpu.memory_space<hbm>> -> memref<10000x64xf32, #tpu.memory_space<hbm>>
      %dma_wait3A_134 = arith.constant 0 : i32
      %dma_wait3A_135 = tpu.memref_slice %dma_wait3A_133[%mul3A_2, %dma_wait3A_134] : memref<10000x64xf32, #tpu.memory_space<hbm>> -> memref<625x64xf32, #tpu.memory_space<hbm>>
      %dma_wait3A_136 = arith.constant 0 : i32
      %dma_wait3A_137 = tpu.memref_slice %arg9[%mul3A_2, %dma_wait3A_136] : memref<10000x64xf32, #tpu.memory_space<vmem_shared>> -> memref<625x64xf32, #tpu.memory_space<vmem_shared>>
      tpu.wait_dma2 semaphore(%run_scoped3A : memref<!tpu.dma_semaphore, #tpu.memory_space<semaphore_mem>>) src(%dma_wait3A_137 : memref<625x64xf32, #tpu.memory_space<vmem_shared>>) dst(%dma_wait3A_135 : memref<625x64xf32, #tpu.memory_space<hbm>>)
      tpu.yield
    }) : () -> ()
    return
  }
}

#map = affine_map<(d0, d1) -> (0, 0)>
#map1 = affine_map<(d0, d1) -> (0, 0, 0)>
module attributes {stable_mosaic.version = 14 : i64} {
  func.func @agg_kernel(%arg0: i32, %arg1: i32, %arg2: memref<10000x64xf32, #tpu.memory_space<hbm>>, %arg3: memref<2x2500x128xi32, #tpu.memory_space<hbm>>, %arg4: memref<10000x64xf32, #tpu.memory_space<hbm>>, %arg5: memref<2x10000x64xf32, #tpu.memory_space<hbm>>, %arg6: memref<79x128xi32, #tpu.memory_space<vmem>>, %arg7: memref<79x128xi32, #tpu.memory_space<vmem>>, %arg8: memref<2x128x64xf32, #tpu.memory_space<vmem>>, %arg9: memref<10000x64xf32, #tpu.memory_space<vmem_shared>>, %arg10: memref<10000x64xf32, #tpu.memory_space<vmem_shared>>, %arg11: memref<!tpu.dma_semaphore, #tpu.memory_space<semaphore_mem>>, %arg12: memref<!tpu.dma_semaphore, #tpu.memory_space<semaphore_mem>>, %arg13: memref<!tpu.dma_semaphore, #tpu.memory_space<semaphore_mem>>) attributes {dimension_semantics = [#tpu.dimension_semantics<core_parallel>, #tpu.dimension_semantics<subcore_parallel>], iteration_bounds = array<i64: 2, 16>, scalar_prefetch = 0 : i64, scratch_operands = 8 : i64, tpu.core_type = #tpu.core_type<sc_vector_subcore>, window_params = [{transform_indices = #map}, {transform_indices = #map1}, {transform_indices = #map}, {transform_indices = #map1}]} {
    %mul3A = arith.constant 16 : i32
    %mul3A_0 = arith.muli %arg0, %mul3A : i32
    %add3A = arith.addi %mul3A_0, %arg1 : i32
    %mul3A_1 = arith.constant 625 : i32
    %mul3A_2 = arith.muli %arg1, %mul3A_1 : i32
    %mul3A_3 = arith.constant 78 : i32
    %mul3A_4 = arith.muli %add3A, %mul3A_3 : i32
    %dma_start3A = arith.constant 0 : i32
    %dma_start3A_5 = arith.constant 0 : i32
    %dma_start3A_6 = arith.constant 0 : i32
    %dma_start3A_7 = tpu.memref_slice %arg6[%dma_start3A_5, %dma_start3A_6] : memref<79x128xi32, #tpu.memory_space<vmem>> -> memref<78x128xi32, #tpu.memory_space<vmem>>
    %dma_start3A_8 = arith.constant 0 : i32
    %dma_start3A_9 = arith.constant 0 : i32
    %dma_start3A_10 = tpu.memref_slice %arg3[%dma_start3A, %dma_start3A_8, %dma_start3A_9] : memref<2x2500x128xi32, #tpu.memory_space<hbm>> -> memref<1x2500x128xi32, #tpu.memory_space<hbm>>
    %dma_start3A_11 = tpu.memref_squeeze %dma_start3A_10 : memref<1x2500x128xi32, #tpu.memory_space<hbm>> -> memref<2500x128xi32, #tpu.memory_space<hbm>>
    %dma_start3A_12 = arith.constant 0 : i32
    %dma_start3A_13 = tpu.memref_slice %dma_start3A_11[%mul3A_4, %dma_start3A_12] : memref<2500x128xi32, #tpu.memory_space<hbm>> -> memref<78x128xi32, #tpu.memory_space<hbm>>
    %dma_start3A_14 = arith.constant 0 : i32
    %dma_start3A_15 = arith.constant 0 : i32
    %dma_start3A_16 = tpu.memref_slice %arg6[%dma_start3A_14, %dma_start3A_15] : memref<79x128xi32, #tpu.memory_space<vmem>> -> memref<78x128xi32, #tpu.memory_space<vmem>>
    %dma_start3A_17 = arith.constant 0 : i32
    %dma_start3A_18 = arith.constant 0 : i32
    %dma_start3A_19 = tpu.memref_slice %arg3[%dma_start3A, %dma_start3A_17, %dma_start3A_18] : memref<2x2500x128xi32, #tpu.memory_space<hbm>> -> memref<1x2500x128xi32, #tpu.memory_space<hbm>>
    %dma_start3A_20 = tpu.memref_squeeze %dma_start3A_19 : memref<1x2500x128xi32, #tpu.memory_space<hbm>> -> memref<2500x128xi32, #tpu.memory_space<hbm>>
    %dma_start3A_21 = arith.constant 0 : i32
    %dma_start3A_22 = tpu.memref_slice %dma_start3A_20[%mul3A_4, %dma_start3A_21] : memref<2500x128xi32, #tpu.memory_space<hbm>> -> memref<78x128xi32, #tpu.memory_space<hbm>>
    tpu.enqueue_dma source(%dma_start3A_22 : memref<78x128xi32, #tpu.memory_space<hbm>>) target(%dma_start3A_16 : memref<78x128xi32, #tpu.memory_space<vmem>>) target_semaphore(%arg13 : memref<!tpu.dma_semaphore, #tpu.memory_space<semaphore_mem>>)
    %mul3A_23 = arith.constant 78 : i32
    %mul3A_24 = arith.muli %add3A, %mul3A_23 : i32
    %dma_start3A_25 = arith.constant 1 : i32
    %dma_start3A_26 = arith.constant 0 : i32
    %dma_start3A_27 = arith.constant 0 : i32
    %dma_start3A_28 = tpu.memref_slice %arg7[%dma_start3A_26, %dma_start3A_27] : memref<79x128xi32, #tpu.memory_space<vmem>> -> memref<78x128xi32, #tpu.memory_space<vmem>>
    %dma_start3A_29 = arith.constant 0 : i32
    %dma_start3A_30 = arith.constant 0 : i32
    %dma_start3A_31 = tpu.memref_slice %arg3[%dma_start3A_25, %dma_start3A_29, %dma_start3A_30] : memref<2x2500x128xi32, #tpu.memory_space<hbm>> -> memref<1x2500x128xi32, #tpu.memory_space<hbm>>
    %dma_start3A_32 = tpu.memref_squeeze %dma_start3A_31 : memref<1x2500x128xi32, #tpu.memory_space<hbm>> -> memref<2500x128xi32, #tpu.memory_space<hbm>>
    %dma_start3A_33 = arith.constant 0 : i32
    %dma_start3A_34 = tpu.memref_slice %dma_start3A_32[%mul3A_24, %dma_start3A_33] : memref<2500x128xi32, #tpu.memory_space<hbm>> -> memref<78x128xi32, #tpu.memory_space<hbm>>
    %dma_start3A_35 = arith.constant 0 : i32
    %dma_start3A_36 = arith.constant 0 : i32
    %dma_start3A_37 = tpu.memref_slice %arg7[%dma_start3A_35, %dma_start3A_36] : memref<79x128xi32, #tpu.memory_space<vmem>> -> memref<78x128xi32, #tpu.memory_space<vmem>>
    %dma_start3A_38 = arith.constant 0 : i32
    %dma_start3A_39 = arith.constant 0 : i32
    %dma_start3A_40 = tpu.memref_slice %arg3[%dma_start3A_25, %dma_start3A_38, %dma_start3A_39] : memref<2x2500x128xi32, #tpu.memory_space<hbm>> -> memref<1x2500x128xi32, #tpu.memory_space<hbm>>
    %dma_start3A_41 = tpu.memref_squeeze %dma_start3A_40 : memref<1x2500x128xi32, #tpu.memory_space<hbm>> -> memref<2500x128xi32, #tpu.memory_space<hbm>>
    %dma_start3A_42 = arith.constant 0 : i32
    %dma_start3A_43 = tpu.memref_slice %dma_start3A_41[%mul3A_24, %dma_start3A_42] : memref<2500x128xi32, #tpu.memory_space<hbm>> -> memref<78x128xi32, #tpu.memory_space<hbm>>
    tpu.enqueue_dma source(%dma_start3A_43 : memref<78x128xi32, #tpu.memory_space<hbm>>) target(%dma_start3A_37 : memref<78x128xi32, #tpu.memory_space<vmem>>) target_semaphore(%arg13 : memref<!tpu.dma_semaphore, #tpu.memory_space<semaphore_mem>>)
    %dma_start3A_44 = arith.constant 0 : i32
    %dma_start3A_45 = tpu.memref_slice %arg9[%mul3A_2, %dma_start3A_44] : memref<10000x64xf32, #tpu.memory_space<vmem_shared>> -> memref<625x64xf32, #tpu.memory_space<vmem_shared>>
    %dma_start3A_46 = arith.constant 0 : i32
    %dma_start3A_47 = tpu.memref_slice %arg4[%mul3A_2, %dma_start3A_46] : memref<10000x64xf32, #tpu.memory_space<hbm>> -> memref<625x64xf32, #tpu.memory_space<hbm>>
    tpu.enqueue_dma source(%dma_start3A_47 : memref<625x64xf32, #tpu.memory_space<hbm>>) target(%dma_start3A_45 : memref<625x64xf32, #tpu.memory_space<vmem_shared>>) target_semaphore(%arg13 : memref<!tpu.dma_semaphore, #tpu.memory_space<semaphore_mem>>)
    %dma_start3A_48 = arith.constant 0 : i32
    %dma_start3A_49 = tpu.memref_slice %arg10[%mul3A_2, %dma_start3A_48] : memref<10000x64xf32, #tpu.memory_space<vmem_shared>> -> memref<625x64xf32, #tpu.memory_space<vmem_shared>>
    %dma_start3A_50 = arith.constant 0 : i32
    %dma_start3A_51 = tpu.memref_slice %arg2[%mul3A_2, %dma_start3A_50] : memref<10000x64xf32, #tpu.memory_space<hbm>> -> memref<625x64xf32, #tpu.memory_space<hbm>>
    tpu.enqueue_dma source(%dma_start3A_51 : memref<625x64xf32, #tpu.memory_space<hbm>>) target(%dma_start3A_49 : memref<625x64xf32, #tpu.memory_space<vmem_shared>>) target_semaphore(%arg13 : memref<!tpu.dma_semaphore, #tpu.memory_space<semaphore_mem>>)
    %lt3A = arith.constant 4 : i32
    %lt3A_52 = arith.cmpi slt, %add3A, %lt3A : i32
    %convert_element_type3A = arith.extui %lt3A_52 : i1 to i32
    %cond3A = arith.constant 0 : i32
    %cond3A_53 = arith.cmpi ne, %convert_element_type3A, %cond3A : i32
    scf.if %cond3A_53 {
      %add3A_122 = arith.constant 2496 : i32
      %add3A_123 = arith.addi %add3A_122, %add3A : i32
      %run_scoped3A = arith.constant 0 : i32
      "tpu.region"() ({
        %run_scoped3A_127 = tpu.sem_alloc : memref<!tpu.dma_semaphore, #tpu.memory_space<semaphore_mem>>
        %dma_start3A_128 = arith.constant 78 : i32
        %dma_start3A_129 = arith.constant 0 : i32
        %dma_start3A_130 = tpu.memref_slice %arg6[%dma_start3A_128, %dma_start3A_129] : memref<79x128xi32, #tpu.memory_space<vmem>> -> memref<1x128xi32, #tpu.memory_space<vmem>>
        %dma_start3A_131 = arith.constant 0 : i32
        %dma_start3A_132 = arith.constant 0 : i32
        %dma_start3A_133 = tpu.memref_slice %arg3[%run_scoped3A, %dma_start3A_131, %dma_start3A_132] : memref<2x2500x128xi32, #tpu.memory_space<hbm>> -> memref<1x2500x128xi32, #tpu.memory_space<hbm>>
        %dma_start3A_134 = tpu.memref_squeeze %dma_start3A_133 : memref<1x2500x128xi32, #tpu.memory_space<hbm>> -> memref<2500x128xi32, #tpu.memory_space<hbm>>
        %dma_start3A_135 = arith.constant 0 : i32
        %dma_start3A_136 = tpu.memref_slice %dma_start3A_134[%add3A_123, %dma_start3A_135] : memref<2500x128xi32, #tpu.memory_space<hbm>> -> memref<1x128xi32, #tpu.memory_space<hbm>>
        %dma_start3A_137 = arith.constant 78 : i32
        %dma_start3A_138 = arith.constant 0 : i32
        %dma_start3A_139 = tpu.memref_slice %arg6[%dma_start3A_137, %dma_start3A_138] : memref<79x128xi32, #tpu.memory_space<vmem>> -> memref<1x128xi32, #tpu.memory_space<vmem>>
        %dma_start3A_140 = arith.constant 0 : i32
        %dma_start3A_141 = arith.constant 0 : i32
        %dma_start3A_142 = tpu.memref_slice %arg3[%run_scoped3A, %dma_start3A_140, %dma_start3A_141] : memref<2x2500x128xi32, #tpu.memory_space<hbm>> -> memref<1x2500x128xi32, #tpu.memory_space<hbm>>
        %dma_start3A_143 = tpu.memref_squeeze %dma_start3A_142 : memref<1x2500x128xi32, #tpu.memory_space<hbm>> -> memref<2500x128xi32, #tpu.memory_space<hbm>>
        %dma_start3A_144 = arith.constant 0 : i32
        %dma_start3A_145 = tpu.memref_slice %dma_start3A_143[%add3A_123, %dma_start3A_144] : memref<2500x128xi32, #tpu.memory_space<hbm>> -> memref<1x128xi32, #tpu.memory_space<hbm>>
        tpu.enqueue_dma source(%dma_start3A_145 : memref<1x128xi32, #tpu.memory_space<hbm>>) target(%dma_start3A_139 : memref<1x128xi32, #tpu.memory_space<vmem>>) target_semaphore(%run_scoped3A_127 : memref<!tpu.dma_semaphore, #tpu.memory_space<semaphore_mem>>)
        %dma_wait3A_146 = arith.constant 78 : i32
        %dma_wait3A_147 = arith.constant 0 : i32
        %dma_wait3A_148 = tpu.memref_slice %arg6[%dma_wait3A_146, %dma_wait3A_147] : memref<79x128xi32, #tpu.memory_space<vmem>> -> memref<1x128xi32, #tpu.memory_space<vmem>>
        %dma_wait3A_149 = arith.constant 0 : i32
        %dma_wait3A_150 = arith.constant 0 : i32
        %dma_wait3A_151 = tpu.memref_slice %arg3[%run_scoped3A, %dma_wait3A_149, %dma_wait3A_150] : memref<2x2500x128xi32, #tpu.memory_space<hbm>> -> memref<1x2500x128xi32, #tpu.memory_space<hbm>>
        %dma_wait3A_152 = tpu.memref_squeeze %dma_wait3A_151 : memref<1x2500x128xi32, #tpu.memory_space<hbm>> -> memref<2500x128xi32, #tpu.memory_space<hbm>>
        %dma_wait3A_153 = arith.constant 0 : i32
        %dma_wait3A_154 = tpu.memref_slice %dma_wait3A_152[%add3A_123, %dma_wait3A_153] : memref<2500x128xi32, #tpu.memory_space<hbm>> -> memref<1x128xi32, #tpu.memory_space<hbm>>
        %dma_wait3A_155 = arith.constant 78 : i32
        %dma_wait3A_156 = arith.constant 0 : i32
        %dma_wait3A_157 = tpu.memref_slice %arg6[%dma_wait3A_155, %dma_wait3A_156] : memref<79x128xi32, #tpu.memory_space<vmem>> -> memref<1x128xi32, #tpu.memory_space<vmem>>
        %dma_wait3A_158 = arith.constant 0 : i32
        %dma_wait3A_159 = arith.constant 0 : i32
        %dma_wait3A_160 = tpu.memref_slice %arg3[%run_scoped3A, %dma_wait3A_158, %dma_wait3A_159] : memref<2x2500x128xi32, #tpu.memory_space<hbm>> -> memref<1x2500x128xi32, #tpu.memory_space<hbm>>
        %dma_wait3A_161 = tpu.memref_squeeze %dma_wait3A_160 : memref<1x2500x128xi32, #tpu.memory_space<hbm>> -> memref<2500x128xi32, #tpu.memory_space<hbm>>
        %dma_wait3A_162 = arith.constant 0 : i32
        %dma_wait3A_163 = tpu.memref_slice %dma_wait3A_161[%add3A_123, %dma_wait3A_162] : memref<2500x128xi32, #tpu.memory_space<hbm>> -> memref<1x128xi32, #tpu.memory_space<hbm>>
        tpu.wait_dma2 semaphore(%run_scoped3A_127 : memref<!tpu.dma_semaphore, #tpu.memory_space<semaphore_mem>>) src(%dma_wait3A_163 : memref<1x128xi32, #tpu.memory_space<hbm>>) dst(%dma_wait3A_157 : memref<1x128xi32, #tpu.memory_space<vmem>>)
        tpu.yield
      }) : () -> ()
      %add3A_124 = arith.constant 2496 : i32
      %add3A_125 = arith.addi %add3A_124, %add3A : i32
      %run_scoped3A_126 = arith.constant 1 : i32
      "tpu.region"() ({
        %run_scoped3A_127 = tpu.sem_alloc : memref<!tpu.dma_semaphore, #tpu.memory_space<semaphore_mem>>
        %dma_start3A_128 = arith.constant 78 : i32
        %dma_start3A_129 = arith.constant 0 : i32
        %dma_start3A_130 = tpu.memref_slice %arg7[%dma_start3A_128, %dma_start3A_129] : memref<79x128xi32, #tpu.memory_space<vmem>> -> memref<1x128xi32, #tpu.memory_space<vmem>>
        %dma_start3A_131 = arith.constant 0 : i32
        %dma_start3A_132 = arith.constant 0 : i32
        %dma_start3A_133 = tpu.memref_slice %arg3[%run_scoped3A_126, %dma_start3A_131, %dma_start3A_132] : memref<2x2500x128xi32, #tpu.memory_space<hbm>> -> memref<1x2500x128xi32, #tpu.memory_space<hbm>>
        %dma_start3A_134 = tpu.memref_squeeze %dma_start3A_133 : memref<1x2500x128xi32, #tpu.memory_space<hbm>> -> memref<2500x128xi32, #tpu.memory_space<hbm>>
        %dma_start3A_135 = arith.constant 0 : i32
        %dma_start3A_136 = tpu.memref_slice %dma_start3A_134[%add3A_125, %dma_start3A_135] : memref<2500x128xi32, #tpu.memory_space<hbm>> -> memref<1x128xi32, #tpu.memory_space<hbm>>
        %dma_start3A_137 = arith.constant 78 : i32
        %dma_start3A_138 = arith.constant 0 : i32
        %dma_start3A_139 = tpu.memref_slice %arg7[%dma_start3A_137, %dma_start3A_138] : memref<79x128xi32, #tpu.memory_space<vmem>> -> memref<1x128xi32, #tpu.memory_space<vmem>>
        %dma_start3A_140 = arith.constant 0 : i32
        %dma_start3A_141 = arith.constant 0 : i32
        %dma_start3A_142 = tpu.memref_slice %arg3[%run_scoped3A_126, %dma_start3A_140, %dma_start3A_141] : memref<2x2500x128xi32, #tpu.memory_space<hbm>> -> memref<1x2500x128xi32, #tpu.memory_space<hbm>>
        %dma_start3A_143 = tpu.memref_squeeze %dma_start3A_142 : memref<1x2500x128xi32, #tpu.memory_space<hbm>> -> memref<2500x128xi32, #tpu.memory_space<hbm>>
        %dma_start3A_144 = arith.constant 0 : i32
        %dma_start3A_145 = tpu.memref_slice %dma_start3A_143[%add3A_125, %dma_start3A_144] : memref<2500x128xi32, #tpu.memory_space<hbm>> -> memref<1x128xi32, #tpu.memory_space<hbm>>
        tpu.enqueue_dma source(%dma_start3A_145 : memref<1x128xi32, #tpu.memory_space<hbm>>) target(%dma_start3A_139 : memref<1x128xi32, #tpu.memory_space<vmem>>) target_semaphore(%run_scoped3A_127 : memref<!tpu.dma_semaphore, #tpu.memory_space<semaphore_mem>>)
        %dma_wait3A_146 = arith.constant 78 : i32
        %dma_wait3A_147 = arith.constant 0 : i32
        %dma_wait3A_148 = tpu.memref_slice %arg7[%dma_wait3A_146, %dma_wait3A_147] : memref<79x128xi32, #tpu.memory_space<vmem>> -> memref<1x128xi32, #tpu.memory_space<vmem>>
        %dma_wait3A_149 = arith.constant 0 : i32
        %dma_wait3A_150 = arith.constant 0 : i32
        %dma_wait3A_151 = tpu.memref_slice %arg3[%run_scoped3A_126, %dma_wait3A_149, %dma_wait3A_150] : memref<2x2500x128xi32, #tpu.memory_space<hbm>> -> memref<1x2500x128xi32, #tpu.memory_space<hbm>>
        %dma_wait3A_152 = tpu.memref_squeeze %dma_wait3A_151 : memref<1x2500x128xi32, #tpu.memory_space<hbm>> -> memref<2500x128xi32, #tpu.memory_space<hbm>>
        %dma_wait3A_153 = arith.constant 0 : i32
        %dma_wait3A_154 = tpu.memref_slice %dma_wait3A_152[%add3A_125, %dma_wait3A_153] : memref<2500x128xi32, #tpu.memory_space<hbm>> -> memref<1x128xi32, #tpu.memory_space<hbm>>
        %dma_wait3A_155 = arith.constant 78 : i32
        %dma_wait3A_156 = arith.constant 0 : i32
        %dma_wait3A_157 = tpu.memref_slice %arg7[%dma_wait3A_155, %dma_wait3A_156] : memref<79x128xi32, #tpu.memory_space<vmem>> -> memref<1x128xi32, #tpu.memory_space<vmem>>
        %dma_wait3A_158 = arith.constant 0 : i32
        %dma_wait3A_159 = arith.constant 0 : i32
        %dma_wait3A_160 = tpu.memref_slice %arg3[%run_scoped3A_126, %dma_wait3A_158, %dma_wait3A_159] : memref<2x2500x128xi32, #tpu.memory_space<hbm>> -> memref<1x2500x128xi32, #tpu.memory_space<hbm>>
        %dma_wait3A_161 = tpu.memref_squeeze %dma_wait3A_160 : memref<1x2500x128xi32, #tpu.memory_space<hbm>> -> memref<2500x128xi32, #tpu.memory_space<hbm>>
        %dma_wait3A_162 = arith.constant 0 : i32
        %dma_wait3A_163 = tpu.memref_slice %dma_wait3A_161[%add3A_125, %dma_wait3A_162] : memref<2500x128xi32, #tpu.memory_space<hbm>> -> memref<1x128xi32, #tpu.memory_space<hbm>>
        tpu.wait_dma2 semaphore(%run_scoped3A_127 : memref<!tpu.dma_semaphore, #tpu.memory_space<semaphore_mem>>) src(%dma_wait3A_163 : memref<1x128xi32, #tpu.memory_space<hbm>>) dst(%dma_wait3A_157 : memref<1x128xi32, #tpu.memory_space<vmem>>)
        tpu.yield
      }) : () -> ()
    } else {
    }
    %dma_wait3A = arith.constant 0 : i32
    %dma_wait3A_54 = arith.constant 0 : i32
    %dma_wait3A_55 = arith.constant 0 : i32
    %dma_wait3A_56 = tpu.memref_slice %arg6[%dma_wait3A_54, %dma_wait3A_55] : memref<79x128xi32, #tpu.memory_space<vmem>> -> memref<78x128xi32, #tpu.memory_space<vmem>>
    %dma_wait3A_57 = arith.constant 0 : i32
    %dma_wait3A_58 = arith.constant 0 : i32
    %dma_wait3A_59 = tpu.memref_slice %arg3[%dma_wait3A, %dma_wait3A_57, %dma_wait3A_58] : memref<2x2500x128xi32, #tpu.memory_space<hbm>> -> memref<1x2500x128xi32, #tpu.memory_space<hbm>>
    %dma_wait3A_60 = tpu.memref_squeeze %dma_wait3A_59 : memref<1x2500x128xi32, #tpu.memory_space<hbm>> -> memref<2500x128xi32, #tpu.memory_space<hbm>>
    %dma_wait3A_61 = arith.constant 0 : i32
    %dma_wait3A_62 = tpu.memref_slice %dma_wait3A_60[%mul3A_4, %dma_wait3A_61] : memref<2500x128xi32, #tpu.memory_space<hbm>> -> memref<78x128xi32, #tpu.memory_space<hbm>>
    %dma_wait3A_63 = arith.constant 0 : i32
    %dma_wait3A_64 = arith.constant 0 : i32
    %dma_wait3A_65 = tpu.memref_slice %arg6[%dma_wait3A_63, %dma_wait3A_64] : memref<79x128xi32, #tpu.memory_space<vmem>> -> memref<78x128xi32, #tpu.memory_space<vmem>>
    %dma_wait3A_66 = arith.constant 0 : i32
    %dma_wait3A_67 = arith.constant 0 : i32
    %dma_wait3A_68 = tpu.memref_slice %arg3[%dma_wait3A, %dma_wait3A_66, %dma_wait3A_67] : memref<2x2500x128xi32, #tpu.memory_space<hbm>> -> memref<1x2500x128xi32, #tpu.memory_space<hbm>>
    %dma_wait3A_69 = tpu.memref_squeeze %dma_wait3A_68 : memref<1x2500x128xi32, #tpu.memory_space<hbm>> -> memref<2500x128xi32, #tpu.memory_space<hbm>>
    %dma_wait3A_70 = arith.constant 0 : i32
    %dma_wait3A_71 = tpu.memref_slice %dma_wait3A_69[%mul3A_4, %dma_wait3A_70] : memref<2500x128xi32, #tpu.memory_space<hbm>> -> memref<78x128xi32, #tpu.memory_space<hbm>>
    tpu.wait_dma2 semaphore(%arg13 : memref<!tpu.dma_semaphore, #tpu.memory_space<semaphore_mem>>) src(%dma_wait3A_71 : memref<78x128xi32, #tpu.memory_space<hbm>>) dst(%dma_wait3A_65 : memref<78x128xi32, #tpu.memory_space<vmem>>)
    %dma_wait3A_72 = arith.constant 1 : i32
    %dma_wait3A_73 = arith.constant 0 : i32
    %dma_wait3A_74 = arith.constant 0 : i32
    %dma_wait3A_75 = tpu.memref_slice %arg7[%dma_wait3A_73, %dma_wait3A_74] : memref<79x128xi32, #tpu.memory_space<vmem>> -> memref<78x128xi32, #tpu.memory_space<vmem>>
    %dma_wait3A_76 = arith.constant 0 : i32
    %dma_wait3A_77 = arith.constant 0 : i32
    %dma_wait3A_78 = tpu.memref_slice %arg3[%dma_wait3A_72, %dma_wait3A_76, %dma_wait3A_77] : memref<2x2500x128xi32, #tpu.memory_space<hbm>> -> memref<1x2500x128xi32, #tpu.memory_space<hbm>>
    %dma_wait3A_79 = tpu.memref_squeeze %dma_wait3A_78 : memref<1x2500x128xi32, #tpu.memory_space<hbm>> -> memref<2500x128xi32, #tpu.memory_space<hbm>>
    %dma_wait3A_80 = arith.constant 0 : i32
    %dma_wait3A_81 = tpu.memref_slice %dma_wait3A_79[%mul3A_24, %dma_wait3A_80] : memref<2500x128xi32, #tpu.memory_space<hbm>> -> memref<78x128xi32, #tpu.memory_space<hbm>>
    %dma_wait3A_82 = arith.constant 0 : i32
    %dma_wait3A_83 = arith.constant 0 : i32
    %dma_wait3A_84 = tpu.memref_slice %arg7[%dma_wait3A_82, %dma_wait3A_83] : memref<79x128xi32, #tpu.memory_space<vmem>> -> memref<78x128xi32, #tpu.memory_space<vmem>>
    %dma_wait3A_85 = arith.constant 0 : i32
    %dma_wait3A_86 = arith.constant 0 : i32
    %dma_wait3A_87 = tpu.memref_slice %arg3[%dma_wait3A_72, %dma_wait3A_85, %dma_wait3A_86] : memref<2x2500x128xi32, #tpu.memory_space<hbm>> -> memref<1x2500x128xi32, #tpu.memory_space<hbm>>
    %dma_wait3A_88 = tpu.memref_squeeze %dma_wait3A_87 : memref<1x2500x128xi32, #tpu.memory_space<hbm>> -> memref<2500x128xi32, #tpu.memory_space<hbm>>
    %dma_wait3A_89 = arith.constant 0 : i32
    %dma_wait3A_90 = tpu.memref_slice %dma_wait3A_88[%mul3A_24, %dma_wait3A_89] : memref<2500x128xi32, #tpu.memory_space<hbm>> -> memref<78x128xi32, #tpu.memory_space<hbm>>
    tpu.wait_dma2 semaphore(%arg13 : memref<!tpu.dma_semaphore, #tpu.memory_space<semaphore_mem>>) src(%dma_wait3A_90 : memref<78x128xi32, #tpu.memory_space<hbm>>) dst(%dma_wait3A_84 : memref<78x128xi32, #tpu.memory_space<vmem>>)
    %dma_wait3A_91 = arith.constant 0 : i32
    %dma_wait3A_92 = tpu.memref_slice %arg9[%mul3A_2, %dma_wait3A_91] : memref<10000x64xf32, #tpu.memory_space<vmem_shared>> -> memref<625x64xf32, #tpu.memory_space<vmem_shared>>
    %dma_wait3A_93 = arith.constant 0 : i32
    %dma_wait3A_94 = tpu.memref_slice %arg4[%mul3A_2, %dma_wait3A_93] : memref<10000x64xf32, #tpu.memory_space<hbm>> -> memref<625x64xf32, #tpu.memory_space<hbm>>
    tpu.wait_dma2 semaphore(%arg13 : memref<!tpu.dma_semaphore, #tpu.memory_space<semaphore_mem>>) src(%dma_wait3A_94 : memref<625x64xf32, #tpu.memory_space<hbm>>) dst(%dma_wait3A_92 : memref<625x64xf32, #tpu.memory_space<vmem_shared>>)
    %dma_wait3A_95 = arith.constant 0 : i32
    %dma_wait3A_96 = tpu.memref_slice %arg10[%mul3A_2, %dma_wait3A_95] : memref<10000x64xf32, #tpu.memory_space<vmem_shared>> -> memref<625x64xf32, #tpu.memory_space<vmem_shared>>
    %dma_wait3A_97 = arith.constant 0 : i32
    %dma_wait3A_98 = tpu.memref_slice %arg2[%mul3A_2, %dma_wait3A_97] : memref<10000x64xf32, #tpu.memory_space<hbm>> -> memref<625x64xf32, #tpu.memory_space<hbm>>
    tpu.wait_dma2 semaphore(%arg13 : memref<!tpu.dma_semaphore, #tpu.memory_space<semaphore_mem>>) src(%dma_wait3A_98 : memref<625x64xf32, #tpu.memory_space<hbm>>) dst(%dma_wait3A_96 : memref<625x64xf32, #tpu.memory_space<vmem_shared>>)
    %barrier3A = arith.constant 0 : index
    tpu.barrier barrier_id(%barrier3A)
    %dma_start3A_99 = arith.constant 0 : i32
    %dma_start3A_100 = arith.constant 0 : i32
    %dma_start3A_101 = arith.constant 0 : i32
    %dma_start3A_102 = arith.constant 0 : i32
    %dma_start3A_103 = tpu.memref_slice %arg8[%dma_start3A_100, %dma_start3A_101, %dma_start3A_102] : memref<2x128x64xf32, #tpu.memory_space<vmem>> -> memref<1x128x64xf32, #tpu.memory_space<vmem>>
    %dma_start3A_104 = tpu.memref_squeeze %dma_start3A_103 : memref<1x128x64xf32, #tpu.memory_space<vmem>> -> memref<128x64xf32, #tpu.memory_space<vmem>>
    %dma_start3A_105 = arith.constant 0 : i32
    %dma_start3A_106 = tpu.memref_slice %arg6[%dma_start3A_99, %dma_start3A_105] : memref<79x128xi32, #tpu.memory_space<vmem>> -> memref<1x128xi32, #tpu.memory_space<vmem>>
    %dma_start3A_107 = tpu.memref_squeeze %dma_start3A_106 : memref<1x128xi32, #tpu.memory_space<vmem>> -> memref<128xi32, #tpu.memory_space<vmem>>
    %dma_start3A_108 = arith.constant 0 : i32
    %dma_start3A_109 = arith.constant 0 : i32
    %dma_start3A_110 = tpu.memref_slice %arg10[%dma_start3A_108, %dma_start3A_109] : memref<10000x64xf32, #tpu.memory_space<vmem_shared>> -> memref<10000x64xf32, #tpu.memory_space<vmem_shared>>
    tpu.enqueue_indirect_dma source(%dma_start3A_110 : memref<10000x64xf32, #tpu.memory_space<vmem_shared>>) target(%dma_start3A_104 : memref<128x64xf32, #tpu.memory_space<vmem>>) offsets(%dma_start3A_107 : memref<128xi32, #tpu.memory_space<vmem>>) semaphore(%arg11 : memref<!tpu.dma_semaphore, #tpu.memory_space<semaphore_mem>>)
    %scan3A = arith.constant 0 : i32
    %scan3A_111 = arith.constant 0 : i32
    %scan3A_112 = arith.constant 39 : i32
    %scan3A_113 = arith.addi %scan3A_111, %scan3A_112 : i32
    %scan3A_114 = arith.constant 1 : i32
    scf.for %scan3A_122 = %scan3A_111 to %scan3A_113 step %scan3A_114  : i32 {
      %mul3A_123 = arith.constant 2 : i32
      %mul3A_124 = arith.muli %scan3A_122, %mul3A_123 : i32
      %add3A_125 = arith.constant 1 : i32
      %add3A_126 = arith.addi %mul3A_124, %add3A_125 : i32
      %dma_start3A_127 = arith.constant 1 : i32
      %dma_start3A_128 = arith.constant 0 : i32
      %dma_start3A_129 = arith.constant 0 : i32
      %dma_start3A_130 = tpu.memref_slice %arg8[%dma_start3A_127, %dma_start3A_128, %dma_start3A_129] : memref<2x128x64xf32, #tpu.memory_space<vmem>> -> memref<1x128x64xf32, #tpu.memory_space<vmem>>
      %dma_start3A_131 = tpu.memref_squeeze %dma_start3A_130 : memref<1x128x64xf32, #tpu.memory_space<vmem>> -> memref<128x64xf32, #tpu.memory_space<vmem>>
      %dma_start3A_132 = arith.constant 0 : i32
      %dma_start3A_133 = tpu.memref_slice %arg6[%add3A_126, %dma_start3A_132] : memref<79x128xi32, #tpu.memory_space<vmem>> -> memref<1x128xi32, #tpu.memory_space<vmem>>
      %dma_start3A_134 = tpu.memref_squeeze %dma_start3A_133 : memref<1x128xi32, #tpu.memory_space<vmem>> -> memref<128xi32, #tpu.memory_space<vmem>>
      %dma_start3A_135 = arith.constant 0 : i32
      %dma_start3A_136 = arith.constant 0 : i32
      %dma_start3A_137 = tpu.memref_slice %arg10[%dma_start3A_135, %dma_start3A_136] : memref<10000x64xf32, #tpu.memory_space<vmem_shared>> -> memref<10000x64xf32, #tpu.memory_space<vmem_shared>>
      tpu.enqueue_indirect_dma source(%dma_start3A_137 : memref<10000x64xf32, #tpu.memory_space<vmem_shared>>) target(%dma_start3A_131 : memref<128x64xf32, #tpu.memory_space<vmem>>) offsets(%dma_start3A_134 : memref<128xi32, #tpu.memory_space<vmem>>) semaphore(%arg12 : memref<!tpu.dma_semaphore, #tpu.memory_space<semaphore_mem>>)
      %dma_wait3A_138 = arith.constant 0 : i32
      %dma_wait3A_139 = arith.constant 0 : i32
      %dma_wait3A_140 = arith.constant 0 : i32
      %dma_wait3A_141 = arith.constant 0 : i32
      %dma_wait3A_142 = tpu.memref_slice %arg8[%dma_wait3A_139, %dma_wait3A_140, %dma_wait3A_141] : memref<2x128x64xf32, #tpu.memory_space<vmem>> -> memref<1x128x64xf32, #tpu.memory_space<vmem>>
      %dma_wait3A_143 = tpu.memref_squeeze %dma_wait3A_142 : memref<1x128x64xf32, #tpu.memory_space<vmem>> -> memref<128x64xf32, #tpu.memory_space<vmem>>
      %dma_wait3A_144 = arith.constant 0 : i32
      %dma_wait3A_145 = tpu.memref_slice %arg6[%dma_wait3A_138, %dma_wait3A_144] : memref<79x128xi32, #tpu.memory_space<vmem>> -> memref<1x128xi32, #tpu.memory_space<vmem>>
      %dma_wait3A_146 = tpu.memref_squeeze %dma_wait3A_145 : memref<1x128xi32, #tpu.memory_space<vmem>> -> memref<128xi32, #tpu.memory_space<vmem>>
      %dma_wait3A_147 = arith.constant 0 : i32
      %dma_wait3A_148 = arith.constant 0 : i32
      %dma_wait3A_149 = tpu.memref_slice %arg10[%dma_wait3A_147, %dma_wait3A_148] : memref<10000x64xf32, #tpu.memory_space<vmem_shared>> -> memref<10000x64xf32, #tpu.memory_space<vmem_shared>>
      tpu.wait_indirect_dma semaphore(%arg11 : memref<!tpu.dma_semaphore, #tpu.memory_space<semaphore_mem>>) src(%dma_wait3A_149 : memref<10000x64xf32, #tpu.memory_space<vmem_shared>>) dst(%dma_wait3A_143 : memref<128x64xf32, #tpu.memory_space<vmem>>)
      %run_scoped3A = arith.constant 0 : i32
      "tpu.region"() ({
        %run_scoped3A_170 = tpu.sem_alloc : memref<!tpu.dma_semaphore, #tpu.memory_space<semaphore_mem>>
        %dma_start3A_171 = arith.constant 0 : i32
        %dma_start3A_172 = arith.constant 0 : i32
        %dma_start3A_173 = tpu.memref_slice %arg8[%run_scoped3A, %dma_start3A_171, %dma_start3A_172] : memref<2x128x64xf32, #tpu.memory_space<vmem>> -> memref<1x128x64xf32, #tpu.memory_space<vmem>>
        %dma_start3A_174 = tpu.memref_squeeze %dma_start3A_173 : memref<1x128x64xf32, #tpu.memory_space<vmem>> -> memref<128x64xf32, #tpu.memory_space<vmem>>
        %dma_start3A_175 = arith.constant 0 : i32
        %dma_start3A_176 = tpu.memref_slice %arg7[%mul3A_124, %dma_start3A_175] : memref<79x128xi32, #tpu.memory_space<vmem>> -> memref<1x128xi32, #tpu.memory_space<vmem>>
        %dma_start3A_177 = tpu.memref_squeeze %dma_start3A_176 : memref<1x128xi32, #tpu.memory_space<vmem>> -> memref<128xi32, #tpu.memory_space<vmem>>
        %dma_start3A_178 = arith.constant 0 : i32
        %dma_start3A_179 = arith.constant 0 : i32
        %dma_start3A_180 = tpu.memref_slice %arg9[%dma_start3A_178, %dma_start3A_179] : memref<10000x64xf32, #tpu.memory_space<vmem_shared>> -> memref<10000x64xf32, #tpu.memory_space<vmem_shared>>
        tpu.enqueue_indirect_dma source(%dma_start3A_174 : memref<128x64xf32, #tpu.memory_space<vmem>>) target(%dma_start3A_180 : memref<10000x64xf32, #tpu.memory_space<vmem_shared>>) offsets(%dma_start3A_177 : memref<128xi32, #tpu.memory_space<vmem>>) semaphore(%run_scoped3A_170 : memref<!tpu.dma_semaphore, #tpu.memory_space<semaphore_mem>>) {add = true}
        %dma_wait3A_181 = arith.constant 0 : i32
        %dma_wait3A_182 = arith.constant 0 : i32
        %dma_wait3A_183 = tpu.memref_slice %arg8[%run_scoped3A, %dma_wait3A_181, %dma_wait3A_182] : memref<2x128x64xf32, #tpu.memory_space<vmem>> -> memref<1x128x64xf32, #tpu.memory_space<vmem>>
        %dma_wait3A_184 = tpu.memref_squeeze %dma_wait3A_183 : memref<1x128x64xf32, #tpu.memory_space<vmem>> -> memref<128x64xf32, #tpu.memory_space<vmem>>
        %dma_wait3A_185 = arith.constant 0 : i32
        %dma_wait3A_186 = tpu.memref_slice %arg7[%mul3A_124, %dma_wait3A_185] : memref<79x128xi32, #tpu.memory_space<vmem>> -> memref<1x128xi32, #tpu.memory_space<vmem>>
        %dma_wait3A_187 = tpu.memref_squeeze %dma_wait3A_186 : memref<1x128xi32, #tpu.memory_space<vmem>> -> memref<128xi32, #tpu.memory_space<vmem>>
        %dma_wait3A_188 = arith.constant 0 : i32
        %dma_wait3A_189 = arith.constant 0 : i32
        %dma_wait3A_190 = tpu.memref_slice %arg9[%dma_wait3A_188, %dma_wait3A_189] : memref<10000x64xf32, #tpu.memory_space<vmem_shared>> -> memref<10000x64xf32, #tpu.memory_space<vmem_shared>>
        tpu.wait_indirect_dma semaphore(%run_scoped3A_170 : memref<!tpu.dma_semaphore, #tpu.memory_space<semaphore_mem>>) src(%dma_wait3A_184 : memref<128x64xf32, #tpu.memory_space<vmem>>) dst(%dma_wait3A_190 : memref<10000x64xf32, #tpu.memory_space<vmem_shared>>)
        tpu.yield
      }) : () -> ()
      %dma_wait3A_150 = arith.constant 0 : i32
      %dma_wait3A_151 = arith.constant 1 : i32
      %dma_wait3A_152 = arith.constant 0 : i32
      %dma_wait3A_153 = arith.constant 0 : i32
      %dma_wait3A_154 = tpu.memref_slice %arg8[%dma_wait3A_151, %dma_wait3A_152, %dma_wait3A_153] : memref<2x128x64xf32, #tpu.memory_space<vmem>> -> memref<1x128x64xf32, #tpu.memory_space<vmem>>
      %dma_wait3A_155 = tpu.memref_squeeze %dma_wait3A_154 : memref<1x128x64xf32, #tpu.memory_space<vmem>> -> memref<128x64xf32, #tpu.memory_space<vmem>>
      %dma_wait3A_156 = arith.constant 0 : i32
      %dma_wait3A_157 = tpu.memref_slice %arg6[%dma_wait3A_150, %dma_wait3A_156] : memref<79x128xi32, #tpu.memory_space<vmem>> -> memref<1x128xi32, #tpu.memory_space<vmem>>
      %dma_wait3A_158 = tpu.memref_squeeze %dma_wait3A_157 : memref<1x128xi32, #tpu.memory_space<vmem>> -> memref<128xi32, #tpu.memory_space<vmem>>
      %dma_wait3A_159 = arith.constant 0 : i32
      %dma_wait3A_160 = arith.constant 0 : i32
      %dma_wait3A_161 = tpu.memref_slice %arg10[%dma_wait3A_159, %dma_wait3A_160] : memref<10000x64xf32, #tpu.memory_space<vmem_shared>> -> memref<10000x64xf32, #tpu.memory_space<vmem_shared>>
      tpu.wait_indirect_dma semaphore(%arg12 : memref<!tpu.dma_semaphore, #tpu.memory_space<semaphore_mem>>) src(%dma_wait3A_161 : memref<10000x64xf32, #tpu.memory_space<vmem_shared>>) dst(%dma_wait3A_155 : memref<128x64xf32, #tpu.memory_space<vmem>>)
      %lt3A_162 = arith.constant 38 : i32
      %lt3A_163 = arith.cmpi slt, %scan3A_122, %lt3A_162 : i32
      %convert_element_type3A_164 = arith.extui %lt3A_163 : i1 to i32
      %cond3A_165 = arith.constant 0 : i32
      %cond3A_166 = arith.cmpi ne, %convert_element_type3A_164, %cond3A_165 : i32
      scf.if %cond3A_166 {
        %add3A_170 = arith.constant 2 : i32
        %add3A_171 = arith.addi %mul3A_124, %add3A_170 : i32
        %dma_start3A_172 = arith.constant 0 : i32
        %dma_start3A_173 = arith.constant 0 : i32
        %dma_start3A_174 = arith.constant 0 : i32
        %dma_start3A_175 = tpu.memref_slice %arg8[%dma_start3A_172, %dma_start3A_173, %dma_start3A_174] : memref<2x128x64xf32, #tpu.memory_space<vmem>> -> memref<1x128x64xf32, #tpu.memory_space<vmem>>
        %dma_start3A_176 = tpu.memref_squeeze %dma_start3A_175 : memref<1x128x64xf32, #tpu.memory_space<vmem>> -> memref<128x64xf32, #tpu.memory_space<vmem>>
        %dma_start3A_177 = arith.constant 0 : i32
        %dma_start3A_178 = tpu.memref_slice %arg6[%add3A_171, %dma_start3A_177] : memref<79x128xi32, #tpu.memory_space<vmem>> -> memref<1x128xi32, #tpu.memory_space<vmem>>
        %dma_start3A_179 = tpu.memref_squeeze %dma_start3A_178 : memref<1x128xi32, #tpu.memory_space<vmem>> -> memref<128xi32, #tpu.memory_space<vmem>>
        %dma_start3A_180 = arith.constant 0 : i32
        %dma_start3A_181 = arith.constant 0 : i32
        %dma_start3A_182 = tpu.memref_slice %arg10[%dma_start3A_180, %dma_start3A_181] : memref<10000x64xf32, #tpu.memory_space<vmem_shared>> -> memref<10000x64xf32, #tpu.memory_space<vmem_shared>>
        tpu.enqueue_indirect_dma source(%dma_start3A_182 : memref<10000x64xf32, #tpu.memory_space<vmem_shared>>) target(%dma_start3A_176 : memref<128x64xf32, #tpu.memory_space<vmem>>) offsets(%dma_start3A_179 : memref<128xi32, #tpu.memory_space<vmem>>) semaphore(%arg11 : memref<!tpu.dma_semaphore, #tpu.memory_space<semaphore_mem>>)
      } else {
      }
      %add3A_167 = arith.constant 1 : i32
      %add3A_168 = arith.addi %mul3A_124, %add3A_167 : i32
      %run_scoped3A_169 = arith.constant 1 : i32
      "tpu.region"() ({
        %run_scoped3A_170 = tpu.sem_alloc : memref<!tpu.dma_semaphore, #tpu.memory_space<semaphore_mem>>
        %dma_start3A_171 = arith.constant 0 : i32
        %dma_start3A_172 = arith.constant 0 : i32
        %dma_start3A_173 = tpu.memref_slice %arg8[%run_scoped3A_169, %dma_start3A_171, %dma_start3A_172] : memref<2x128x64xf32, #tpu.memory_space<vmem>> -> memref<1x128x64xf32, #tpu.memory_space<vmem>>
        %dma_start3A_174 = tpu.memref_squeeze %dma_start3A_173 : memref<1x128x64xf32, #tpu.memory_space<vmem>> -> memref<128x64xf32, #tpu.memory_space<vmem>>
        %dma_start3A_175 = arith.constant 0 : i32
        %dma_start3A_176 = tpu.memref_slice %arg7[%add3A_168, %dma_start3A_175] : memref<79x128xi32, #tpu.memory_space<vmem>> -> memref<1x128xi32, #tpu.memory_space<vmem>>
        %dma_start3A_177 = tpu.memref_squeeze %dma_start3A_176 : memref<1x128xi32, #tpu.memory_space<vmem>> -> memref<128xi32, #tpu.memory_space<vmem>>
        %dma_start3A_178 = arith.constant 0 : i32
        %dma_start3A_179 = arith.constant 0 : i32
        %dma_start3A_180 = tpu.memref_slice %arg9[%dma_start3A_178, %dma_start3A_179] : memref<10000x64xf32, #tpu.memory_space<vmem_shared>> -> memref<10000x64xf32, #tpu.memory_space<vmem_shared>>
        tpu.enqueue_indirect_dma source(%dma_start3A_174 : memref<128x64xf32, #tpu.memory_space<vmem>>) target(%dma_start3A_180 : memref<10000x64xf32, #tpu.memory_space<vmem_shared>>) offsets(%dma_start3A_177 : memref<128xi32, #tpu.memory_space<vmem>>) semaphore(%run_scoped3A_170 : memref<!tpu.dma_semaphore, #tpu.memory_space<semaphore_mem>>) {add = true}
        %dma_wait3A_181 = arith.constant 0 : i32
        %dma_wait3A_182 = arith.constant 0 : i32
        %dma_wait3A_183 = tpu.memref_slice %arg8[%run_scoped3A_169, %dma_wait3A_181, %dma_wait3A_182] : memref<2x128x64xf32, #tpu.memory_space<vmem>> -> memref<1x128x64xf32, #tpu.memory_space<vmem>>
        %dma_wait3A_184 = tpu.memref_squeeze %dma_wait3A_183 : memref<1x128x64xf32, #tpu.memory_space<vmem>> -> memref<128x64xf32, #tpu.memory_space<vmem>>
        %dma_wait3A_185 = arith.constant 0 : i32
        %dma_wait3A_186 = tpu.memref_slice %arg7[%add3A_168, %dma_wait3A_185] : memref<79x128xi32, #tpu.memory_space<vmem>> -> memref<1x128xi32, #tpu.memory_space<vmem>>
        %dma_wait3A_187 = tpu.memref_squeeze %dma_wait3A_186 : memref<1x128xi32, #tpu.memory_space<vmem>> -> memref<128xi32, #tpu.memory_space<vmem>>
        %dma_wait3A_188 = arith.constant 0 : i32
        %dma_wait3A_189 = arith.constant 0 : i32
        %dma_wait3A_190 = tpu.memref_slice %arg9[%dma_wait3A_188, %dma_wait3A_189] : memref<10000x64xf32, #tpu.memory_space<vmem_shared>> -> memref<10000x64xf32, #tpu.memory_space<vmem_shared>>
        tpu.wait_indirect_dma semaphore(%run_scoped3A_170 : memref<!tpu.dma_semaphore, #tpu.memory_space<semaphore_mem>>) src(%dma_wait3A_184 : memref<128x64xf32, #tpu.memory_space<vmem>>) dst(%dma_wait3A_190 : memref<10000x64xf32, #tpu.memory_space<vmem_shared>>)
        tpu.yield
      }) : () -> ()
    }
    %scan3A_115 = arith.constant 39 : i32
    %lt3A_116 = arith.constant 4 : i32
    %lt3A_117 = arith.cmpi slt, %add3A, %lt3A_116 : i32
    %convert_element_type3A_118 = arith.extui %lt3A_117 : i1 to i32
    %cond3A_119 = arith.constant 0 : i32
    %cond3A_120 = arith.cmpi ne, %convert_element_type3A_118, %cond3A_119 : i32
    scf.if %cond3A_120 {
      %dma_start3A_122 = arith.constant 78 : i32
      %dma_start3A_123 = arith.constant 0 : i32
      %dma_start3A_124 = arith.constant 0 : i32
      %dma_start3A_125 = arith.constant 0 : i32
      %dma_start3A_126 = tpu.memref_slice %arg8[%dma_start3A_123, %dma_start3A_124, %dma_start3A_125] : memref<2x128x64xf32, #tpu.memory_space<vmem>> -> memref<1x128x64xf32, #tpu.memory_space<vmem>>
      %dma_start3A_127 = tpu.memref_squeeze %dma_start3A_126 : memref<1x128x64xf32, #tpu.memory_space<vmem>> -> memref<128x64xf32, #tpu.memory_space<vmem>>
      %dma_start3A_128 = arith.constant 0 : i32
      %dma_start3A_129 = tpu.memref_slice %arg6[%dma_start3A_122, %dma_start3A_128] : memref<79x128xi32, #tpu.memory_space<vmem>> -> memref<1x128xi32, #tpu.memory_space<vmem>>
      %dma_start3A_130 = tpu.memref_squeeze %dma_start3A_129 : memref<1x128xi32, #tpu.memory_space<vmem>> -> memref<128xi32, #tpu.memory_space<vmem>>
      %dma_start3A_131 = arith.constant 0 : i32
      %dma_start3A_132 = arith.constant 0 : i32
      %dma_start3A_133 = tpu.memref_slice %arg10[%dma_start3A_131, %dma_start3A_132] : memref<10000x64xf32, #tpu.memory_space<vmem_shared>> -> memref<10000x64xf32, #tpu.memory_space<vmem_shared>>
      tpu.enqueue_indirect_dma source(%dma_start3A_133 : memref<10000x64xf32, #tpu.memory_space<vmem_shared>>) target(%dma_start3A_127 : memref<128x64xf32, #tpu.memory_space<vmem>>) offsets(%dma_start3A_130 : memref<128xi32, #tpu.memory_space<vmem>>) semaphore(%arg11 : memref<!tpu.dma_semaphore, #tpu.memory_space<semaphore_mem>>)
      %dma_wait3A_134 = arith.constant 0 : i32
      %dma_wait3A_135 = arith.constant 0 : i32
      %dma_wait3A_136 = arith.constant 0 : i32
      %dma_wait3A_137 = arith.constant 0 : i32
      %dma_wait3A_138 = tpu.memref_slice %arg8[%dma_wait3A_135, %dma_wait3A_136, %dma_wait3A_137] : memref<2x128x64xf32, #tpu.memory_space<vmem>> -> memref<1x128x64xf32, #tpu.memory_space<vmem>>
      %dma_wait3A_139 = tpu.memref_squeeze %dma_wait3A_138 : memref<1x128x64xf32, #tpu.memory_space<vmem>> -> memref<128x64xf32, #tpu.memory_space<vmem>>
      %dma_wait3A_140 = arith.constant 0 : i32
      %dma_wait3A_141 = tpu.memref_slice %arg6[%dma_wait3A_134, %dma_wait3A_140] : memref<79x128xi32, #tpu.memory_space<vmem>> -> memref<1x128xi32, #tpu.memory_space<vmem>>
      %dma_wait3A_142 = tpu.memref_squeeze %dma_wait3A_141 : memref<1x128xi32, #tpu.memory_space<vmem>> -> memref<128xi32, #tpu.memory_space<vmem>>
      %dma_wait3A_143 = arith.constant 0 : i32
      %dma_wait3A_144 = arith.constant 0 : i32
      %dma_wait3A_145 = tpu.memref_slice %arg10[%dma_wait3A_143, %dma_wait3A_144] : memref<10000x64xf32, #tpu.memory_space<vmem_shared>> -> memref<10000x64xf32, #tpu.memory_space<vmem_shared>>
      tpu.wait_indirect_dma semaphore(%arg11 : memref<!tpu.dma_semaphore, #tpu.memory_space<semaphore_mem>>) src(%dma_wait3A_145 : memref<10000x64xf32, #tpu.memory_space<vmem_shared>>) dst(%dma_wait3A_139 : memref<128x64xf32, #tpu.memory_space<vmem>>)
      %run_scoped3A = arith.constant 0 : i32
      %run_scoped3A_146 = arith.constant 78 : i32
      "tpu.region"() ({
        %run_scoped3A_147 = tpu.sem_alloc : memref<!tpu.dma_semaphore, #tpu.memory_space<semaphore_mem>>
        %dma_start3A_148 = arith.constant 0 : i32
        %dma_start3A_149 = arith.constant 0 : i32
        %dma_start3A_150 = tpu.memref_slice %arg8[%run_scoped3A, %dma_start3A_148, %dma_start3A_149] : memref<2x128x64xf32, #tpu.memory_space<vmem>> -> memref<1x128x64xf32, #tpu.memory_space<vmem>>
        %dma_start3A_151 = tpu.memref_squeeze %dma_start3A_150 : memref<1x128x64xf32, #tpu.memory_space<vmem>> -> memref<128x64xf32, #tpu.memory_space<vmem>>
        %dma_start3A_152 = arith.constant 0 : i32
        %dma_start3A_153 = tpu.memref_slice %arg7[%run_scoped3A_146, %dma_start3A_152] : memref<79x128xi32, #tpu.memory_space<vmem>> -> memref<1x128xi32, #tpu.memory_space<vmem>>
        %dma_start3A_154 = tpu.memref_squeeze %dma_start3A_153 : memref<1x128xi32, #tpu.memory_space<vmem>> -> memref<128xi32, #tpu.memory_space<vmem>>
        %dma_start3A_155 = arith.constant 0 : i32
        %dma_start3A_156 = arith.constant 0 : i32
        %dma_start3A_157 = tpu.memref_slice %arg9[%dma_start3A_155, %dma_start3A_156] : memref<10000x64xf32, #tpu.memory_space<vmem_shared>> -> memref<10000x64xf32, #tpu.memory_space<vmem_shared>>
        tpu.enqueue_indirect_dma source(%dma_start3A_151 : memref<128x64xf32, #tpu.memory_space<vmem>>) target(%dma_start3A_157 : memref<10000x64xf32, #tpu.memory_space<vmem_shared>>) offsets(%dma_start3A_154 : memref<128xi32, #tpu.memory_space<vmem>>) semaphore(%run_scoped3A_147 : memref<!tpu.dma_semaphore, #tpu.memory_space<semaphore_mem>>) {add = true}
        %dma_wait3A_158 = arith.constant 0 : i32
        %dma_wait3A_159 = arith.constant 0 : i32
        %dma_wait3A_160 = tpu.memref_slice %arg8[%run_scoped3A, %dma_wait3A_158, %dma_wait3A_159] : memref<2x128x64xf32, #tpu.memory_space<vmem>> -> memref<1x128x64xf32, #tpu.memory_space<vmem>>
        %dma_wait3A_161 = tpu.memref_squeeze %dma_wait3A_160 : memref<1x128x64xf32, #tpu.memory_space<vmem>> -> memref<128x64xf32, #tpu.memory_space<vmem>>
        %dma_wait3A_162 = arith.constant 0 : i32
        %dma_wait3A_163 = tpu.memref_slice %arg7[%run_scoped3A_146, %dma_wait3A_162] : memref<79x128xi32, #tpu.memory_space<vmem>> -> memref<1x128xi32, #tpu.memory_space<vmem>>
        %dma_wait3A_164 = tpu.memref_squeeze %dma_wait3A_163 : memref<1x128xi32, #tpu.memory_space<vmem>> -> memref<128xi32, #tpu.memory_space<vmem>>
        %dma_wait3A_165 = arith.constant 0 : i32
        %dma_wait3A_166 = arith.constant 0 : i32
        %dma_wait3A_167 = tpu.memref_slice %arg9[%dma_wait3A_165, %dma_wait3A_166] : memref<10000x64xf32, #tpu.memory_space<vmem_shared>> -> memref<10000x64xf32, #tpu.memory_space<vmem_shared>>
        tpu.wait_indirect_dma semaphore(%run_scoped3A_147 : memref<!tpu.dma_semaphore, #tpu.memory_space<semaphore_mem>>) src(%dma_wait3A_161 : memref<128x64xf32, #tpu.memory_space<vmem>>) dst(%dma_wait3A_167 : memref<10000x64xf32, #tpu.memory_space<vmem_shared>>)
        tpu.yield
      }) : () -> ()
    } else {
    }
    %barrier3A_121 = arith.constant 0 : index
    tpu.barrier barrier_id(%barrier3A_121)
    "tpu.region"() ({
      %run_scoped3A = tpu.sem_alloc : memref<!tpu.dma_semaphore, #tpu.memory_space<semaphore_mem>>
      %dma_start3A_122 = arith.constant 0 : i32
      %dma_start3A_123 = arith.constant 0 : i32
      %dma_start3A_124 = tpu.memref_slice %arg5[%arg0, %dma_start3A_122, %dma_start3A_123] : memref<2x10000x64xf32, #tpu.memory_space<hbm>> -> memref<1x10000x64xf32, #tpu.memory_space<hbm>>
      %dma_start3A_125 = tpu.memref_squeeze %dma_start3A_124 : memref<1x10000x64xf32, #tpu.memory_space<hbm>> -> memref<10000x64xf32, #tpu.memory_space<hbm>>
      %dma_start3A_126 = arith.constant 0 : i32
      %dma_start3A_127 = tpu.memref_slice %dma_start3A_125[%mul3A_2, %dma_start3A_126] : memref<10000x64xf32, #tpu.memory_space<hbm>> -> memref<625x64xf32, #tpu.memory_space<hbm>>
      %dma_start3A_128 = arith.constant 0 : i32
      %dma_start3A_129 = tpu.memref_slice %arg9[%mul3A_2, %dma_start3A_128] : memref<10000x64xf32, #tpu.memory_space<vmem_shared>> -> memref<625x64xf32, #tpu.memory_space<vmem_shared>>
      tpu.enqueue_dma source(%dma_start3A_129 : memref<625x64xf32, #tpu.memory_space<vmem_shared>>) target(%dma_start3A_127 : memref<625x64xf32, #tpu.memory_space<hbm>>) target_semaphore(%run_scoped3A : memref<!tpu.dma_semaphore, #tpu.memory_space<semaphore_mem>>)
      %dma_wait3A_130 = arith.constant 0 : i32
      %dma_wait3A_131 = arith.constant 0 : i32
      %dma_wait3A_132 = tpu.memref_slice %arg5[%arg0, %dma_wait3A_130, %dma_wait3A_131] : memref<2x10000x64xf32, #tpu.memory_space<hbm>> -> memref<1x10000x64xf32, #tpu.memory_space<hbm>>
      %dma_wait3A_133 = tpu.memref_squeeze %dma_wait3A_132 : memref<1x10000x64xf32, #tpu.memory_space<hbm>> -> memref<10000x64xf32, #tpu.memory_space<hbm>>
      %dma_wait3A_134 = arith.constant 0 : i32
      %dma_wait3A_135 = tpu.memref_slice %dma_wait3A_133[%mul3A_2, %dma_wait3A_134] : memref<10000x64xf32, #tpu.memory_space<hbm>> -> memref<625x64xf32, #tpu.memory_space<hbm>>
      %dma_wait3A_136 = arith.constant 0 : i32
      %dma_wait3A_137 = tpu.memref_slice %arg9[%mul3A_2, %dma_wait3A_136] : memref<10000x64xf32, #tpu.memory_space<vmem_shared>> -> memref<625x64xf32, #tpu.memory_space<vmem_shared>>
      tpu.wait_dma2 semaphore(%run_scoped3A : memref<!tpu.dma_semaphore, #tpu.memory_space<semaphore_mem>>) src(%dma_wait3A_137 : memref<625x64xf32, #tpu.memory_space<vmem_shared>>) dst(%dma_wait3A_135 : memref<625x64xf32, #tpu.memory_space<hbm>>)
      tpu.yield
    }) : () -> ()
    return
  }
}

module attributes {stable_mosaic.version = 14 : i64} {
  func.func @_stage_a_body(%arg0: i32, %arg1: memref<1000x256xf32, #tpu.memory_space<vmem>>, %arg2: memref<256x128xf32, #tpu.memory_space<vmem>>, %arg3: memref<1000x128xf32, #tpu.memory_space<vmem>>) attributes {dimension_semantics = [#tpu.dimension_semantics<arbitrary>], iteration_bounds = array<i64: 5>, scalar_prefetch = 0 : i64, scratch_operands = 0 : i64, tpu.core_type = #tpu.core_type<tc>, window_params = [{transform_indices = @transform_0, window_bounds = array<i64: 1000, 256>}, {pipeline_mode = #tpu.pipeline_mode<synchronous>, transform_indices = @transform_1, window_bounds = array<i64: 256, 128>}, {transform_indices = @transform_2, window_bounds = array<i64: 1000, 128>}]} {
    %get3A = arith.constant 0 : index
    %get3A_0 = arith.constant 0 : index
    %get3A_1 = vector.load %arg1[%get3A, %get3A_0] : memref<1000x256xf32, #tpu.memory_space<vmem>>, vector<1000x256xf32>
    %get3A_2 = arith.constant 0 : index
    %get3A_3 = arith.constant 0 : index
    %get3A_4 = vector.load %arg2[%get3A_2, %get3A_3] : memref<256x128xf32, #tpu.memory_space<vmem>>, vector<256x128xf32>
    %dot_general3A = arith.constant dense<0.000000e+00> : vector<1000x128xf32>
    %dot_general3A_5 = tpu.matmul %get3A_1, %get3A_4, %dot_general3A {dimension_numbers = #tpu.dot_dimension_numbers<[1], [0], [0], [1], [0, 0, 1, 1], [], []>, transpose_lhs_hint = false} : vector<1000x256xf32>, vector<256x128xf32>, vector<1000x128xf32> -> vector<1000x128xf32>
    %swap3A = arith.constant 0 : index
    %swap3A_6 = arith.constant 0 : index
    %swap3A_7 = vector.load %arg3[%swap3A, %swap3A_6] : memref<1000x128xf32, #tpu.memory_space<vmem>>, vector<1000x128xf32>
    tpu.vector_store %arg3[%swap3A, %swap3A_6], %dot_general3A_5 {strides = array<i32>} : memref<1000x128xf32, #tpu.memory_space<vmem>>, vector<1000x128xf32>,
    return
  }
  func.func @transform_0(%arg0: i32) -> (i32, i32) {
    %c0_i32 = arith.constant 0 : i32
    %c0_i32_0 = arith.constant 0 : i32
    return %arg0, %c0_i32 : i32, i32
  }
  func.func @transform_1(%arg0: i32) -> (i32, i32) {
    %c0_i32 = arith.constant 0 : i32
    %c0_i32_0 = arith.constant 0 : i32
    %c0_i32_1 = arith.constant 0 : i32
    return %c0_i32, %c0_i32_0 : i32, i32
  }
  func.func @transform_2(%arg0: i32) -> (i32, i32) {
    %c0_i32 = arith.constant 0 : i32
    %c0_i32_0 = arith.constant 0 : i32
    return %arg0, %c0_i32 : i32, i32
  }
}

module attributes {stable_mosaic.version = 14 : i64} {
  func.func @_stage_b_body(%arg0: i32, %arg1: memref<2x1000x128xf32, #tpu.memory_space<vmem>>, %arg2: memref<1000x128xf32, #tpu.memory_space<vmem>>, %arg3: memref<1000x128xf32, #tpu.memory_space<vmem>>, %arg4: memref<128x128xf32, #tpu.memory_space<vmem>>, %arg5: memref<1x128xf32, #tpu.memory_space<vmem>>, %arg6: memref<1000x128xf32, #tpu.memory_space<vmem>>) attributes {dimension_semantics = [#tpu.dimension_semantics<arbitrary>], iteration_bounds = array<i64: 5>, scalar_prefetch = 0 : i64, scratch_operands = 0 : i64, tpu.core_type = #tpu.core_type<tc>, window_params = [{transform_indices = @transform_0, window_bounds = array<i64: 2, 1000, 128>}, {transform_indices = @transform_1, window_bounds = array<i64: 1000, 128>}, {transform_indices = @transform_2, window_bounds = array<i64: 1000, 128>}, {pipeline_mode = #tpu.pipeline_mode<synchronous>, transform_indices = @transform_3, window_bounds = array<i64: 128, 128>}, {pipeline_mode = #tpu.pipeline_mode<synchronous>, transform_indices = @transform_4, window_bounds = array<i64: 1, 128>}, {transform_indices = @transform_5, window_bounds = array<i64: 1000, 128>}]} {
    %get3A = arith.constant 0 : index
    %get3A_0 = arith.constant 0 : index
    %get3A_1 = vector.load %arg3[%get3A, %get3A_0] : memref<1000x128xf32, #tpu.memory_space<vmem>>, vector<1000x128xf32>
    %get3A_2 = arith.constant 0 : index
    %get3A_3 = arith.constant 0 : index
    %get3A_4 = arith.constant 0 : index
    %get3A_5 = vector.load %arg1[%get3A_2, %get3A_3, %get3A_4] : memref<2x1000x128xf32, #tpu.memory_space<vmem>>, vector<1x1000x128xf32>
    %get3A_6 = vector.shape_cast %get3A_5 : vector<1x1000x128xf32> to vector<1000x128xf32>
    %get3A_7 = arith.constant 1 : index
    %get3A_8 = arith.constant 0 : index
    %get3A_9 = arith.constant 0 : index
    %get3A_10 = vector.load %arg1[%get3A_7, %get3A_8, %get3A_9] : memref<2x1000x128xf32, #tpu.memory_space<vmem>>, vector<1x1000x128xf32>
    %get3A_11 = vector.shape_cast %get3A_10 : vector<1x1000x128xf32> to vector<1000x128xf32>
    %add3A = arith.addf %get3A_6, %get3A_11 : vector<1000x128xf32>
    %get3A_12 = arith.constant 0 : index
    %get3A_13 = arith.constant 0 : index
    %get3A_14 = vector.load %arg2[%get3A_12, %get3A_13] : memref<1000x128xf32, #tpu.memory_space<vmem>>, vector<1000x128xf32>
    %add3A_15 = arith.addf %add3A, %get3A_14 : vector<1000x128xf32>
    %mul3A = arith.mulf %add3A_15, %get3A_1 : vector<1000x128xf32>
    %get3A_16 = arith.constant 0 : index
    %get3A_17 = arith.constant 0 : index
    %get3A_18 = vector.load %arg5[%get3A_16, %get3A_17] : memref<1x128xf32, #tpu.memory_space<vmem>>, vector<1x128xf32>
    %add3A_19 = vector.broadcast %get3A_18 : vector<1x128xf32> to vector<1000x128xf32>
    %add3A_20 = arith.addf %mul3A, %add3A_19 : vector<1000x128xf32>
    %max3A = arith.constant 0.000000e+00 : f32
    %max3A_21 = vector.broadcast %max3A : f32 to vector<1000x128xf32>
    %max3A_22 = arith.maximumf %add3A_20, %max3A_21 : vector<1000x128xf32>
    %get3A_23 = arith.constant 0 : index
    %get3A_24 = arith.constant 0 : index
    %get3A_25 = vector.load %arg4[%get3A_23, %get3A_24] : memref<128x128xf32, #tpu.memory_space<vmem>>, vector<128x128xf32>
    %dot_general3A = arith.constant dense<0.000000e+00> : vector<1000x128xf32>
    %dot_general3A_26 = tpu.matmul %max3A_22, %get3A_25, %dot_general3A {dimension_numbers = #tpu.dot_dimension_numbers<[1], [0], [0], [1], [0, 0, 1, 1], [], []>, transpose_lhs_hint = false} : vector<1000x128xf32>, vector<128x128xf32>, vector<1000x128xf32> -> vector<1000x128xf32>
    %mul3A_27 = arith.mulf %dot_general3A_26, %get3A_1 : vector<1000x128xf32>
    %swap3A = arith.constant 0 : index
    %swap3A_28 = arith.constant 0 : index
    %swap3A_29 = vector.load %arg6[%swap3A, %swap3A_28] : memref<1000x128xf32, #tpu.memory_space<vmem>>, vector<1000x128xf32>
    tpu.vector_store %arg6[%swap3A, %swap3A_28], %mul3A_27 {strides = array<i32>} : memref<1000x128xf32, #tpu.memory_space<vmem>>, vector<1000x128xf32>,
    return
  }
  func.func @transform_0(%arg0: i32) -> (i32, i32, i32) {
    %c0_i32 = arith.constant 0 : i32
    %c0_i32_0 = arith.constant 0 : i32
    %c0_i32_1 = arith.constant 0 : i32
    return %c0_i32, %arg0, %c0_i32_0 : i32, i32, i32
  }
  func.func @transform_1(%arg0: i32) -> (i32, i32) {
    %c0_i32 = arith.constant 0 : i32
    %c0_i32_0 = arith.constant 0 : i32
    return %arg0, %c0_i32 : i32, i32
  }
  func.func @transform_2(%arg0: i32) -> (i32, i32) {
    %c0_i32 = arith.constant 0 : i32
    %c0_i32_0 = arith.constant 0 : i32
    return %arg0, %c0_i32 : i32, i32
  }
  func.func @transform_3(%arg0: i32) -> (i32, i32) {
    %c0_i32 = arith.constant 0 : i32
    %c0_i32_0 = arith.constant 0 : i32
    %c0_i32_1 = arith.constant 0 : i32
    return %c0_i32, %c0_i32_0 : i32, i32
  }
  func.func @transform_4(%arg0: i32) -> (i32, i32) {
    %c0_i32 = arith.constant 0 : i32
    %c0_i32_0 = arith.constant 0 : i32
    %c0_i32_1 = arith.constant 0 : i32
    return %c0_i32, %c0_i32_0 : i32, i32
  }
  func.func @transform_5(%arg0: i32) -> (i32, i32) {
    %c0_i32 = arith.constant 0 : i32
    %c0_i32_0 = arith.constant 0 : i32
    return %arg0, %c0_i32 : i32, i32
  }
}

module attributes {stable_mosaic.version = 14 : i64} {
  func.func @_stage_c_body(%arg0: i32, %arg1: memref<2x1000x128xf32, #tpu.memory_space<vmem>>, %arg2: memref<1000x128xf32, #tpu.memory_space<vmem>>, %arg3: memref<1000x128xf32, #tpu.memory_space<vmem>>, %arg4: memref<128x8xf32, #tpu.memory_space<vmem>>, %arg5: memref<1x128xf32, #tpu.memory_space<vmem>>, %arg6: memref<1x8xf32, #tpu.memory_space<vmem>>, %arg7: memref<1000x8xf32, #tpu.memory_space<vmem>>) attributes {dimension_semantics = [#tpu.dimension_semantics<arbitrary>], iteration_bounds = array<i64: 5>, scalar_prefetch = 0 : i64, scratch_operands = 0 : i64, tpu.core_type = #tpu.core_type<tc>, window_params = [{transform_indices = @transform_0, window_bounds = array<i64: 2, 1000, 128>}, {transform_indices = @transform_1, window_bounds = array<i64: 1000, 128>}, {transform_indices = @transform_2, window_bounds = array<i64: 1000, 128>}, {pipeline_mode = #tpu.pipeline_mode<synchronous>, transform_indices = @transform_3, window_bounds = array<i64: 128, 8>}, {pipeline_mode = #tpu.pipeline_mode<synchronous>, transform_indices = @transform_4, window_bounds = array<i64: 1, 128>}, {pipeline_mode = #tpu.pipeline_mode<synchronous>, transform_indices = @transform_5, window_bounds = array<i64: 1, 8>}, {transform_indices = @transform_6, window_bounds = array<i64: 1000, 8>}]} {
    %get3A = arith.constant 0 : index
    %get3A_0 = arith.constant 0 : index
    %get3A_1 = arith.constant 0 : index
    %get3A_2 = vector.load %arg1[%get3A, %get3A_0, %get3A_1] : memref<2x1000x128xf32, #tpu.memory_space<vmem>>, vector<1x1000x128xf32>
    %get3A_3 = vector.shape_cast %get3A_2 : vector<1x1000x128xf32> to vector<1000x128xf32>
    %get3A_4 = arith.constant 1 : index
    %get3A_5 = arith.constant 0 : index
    %get3A_6 = arith.constant 0 : index
    %get3A_7 = vector.load %arg1[%get3A_4, %get3A_5, %get3A_6] : memref<2x1000x128xf32, #tpu.memory_space<vmem>>, vector<1x1000x128xf32>
    %get3A_8 = vector.shape_cast %get3A_7 : vector<1x1000x128xf32> to vector<1000x128xf32>
    %add3A = arith.addf %get3A_3, %get3A_8 : vector<1000x128xf32>
    %get3A_9 = arith.constant 0 : index
    %get3A_10 = arith.constant 0 : index
    %get3A_11 = vector.load %arg2[%get3A_9, %get3A_10] : memref<1000x128xf32, #tpu.memory_space<vmem>>, vector<1000x128xf32>
    %add3A_12 = arith.addf %add3A, %get3A_11 : vector<1000x128xf32>
    %get3A_13 = arith.constant 0 : index
    %get3A_14 = arith.constant 0 : index
    %get3A_15 = vector.load %arg3[%get3A_13, %get3A_14] : memref<1000x128xf32, #tpu.memory_space<vmem>>, vector<1000x128xf32>
    %mul3A = arith.mulf %add3A_12, %get3A_15 : vector<1000x128xf32>
    %get3A_16 = arith.constant 0 : index
    %get3A_17 = arith.constant 0 : index
    %get3A_18 = vector.load %arg5[%get3A_16, %get3A_17] : memref<1x128xf32, #tpu.memory_space<vmem>>, vector<1x128xf32>
    %add3A_19 = vector.broadcast %get3A_18 : vector<1x128xf32> to vector<1000x128xf32>
    %add3A_20 = arith.addf %mul3A, %add3A_19 : vector<1000x128xf32>
    %get3A_21 = arith.constant 0 : index
    %get3A_22 = arith.constant 0 : index
    %get3A_23 = vector.load %arg4[%get3A_21, %get3A_22] : memref<128x8xf32, #tpu.memory_space<vmem>>, vector<128x8xf32>
    %dot_general3A = arith.constant dense<0.000000e+00> : vector<1000x8xf32>
    %dot_general3A_24 = tpu.matmul %add3A_20, %get3A_23, %dot_general3A {dimension_numbers = #tpu.dot_dimension_numbers<[1], [0], [0], [1], [0, 0, 1, 1], [], []>, transpose_lhs_hint = false} : vector<1000x128xf32>, vector<128x8xf32>, vector<1000x8xf32> -> vector<1000x8xf32>
    %get3A_25 = arith.constant 0 : index
    %get3A_26 = arith.constant 0 : index
    %get3A_27 = vector.load %arg6[%get3A_25, %get3A_26] : memref<1x8xf32, #tpu.memory_space<vmem>>, vector<1x8xf32>
    %add3A_28 = vector.broadcast %get3A_27 : vector<1x8xf32> to vector<1000x8xf32>
    %add3A_29 = arith.addf %dot_general3A_24, %add3A_28 : vector<1000x8xf32>
    %swap3A = arith.constant 0 : index
    %swap3A_30 = arith.constant 0 : index
    %swap3A_31 = vector.load %arg7[%swap3A, %swap3A_30] : memref<1000x8xf32, #tpu.memory_space<vmem>>, vector<1000x8xf32>
    tpu.vector_store %arg7[%swap3A, %swap3A_30], %add3A_29 {strides = array<i32>} : memref<1000x8xf32, #tpu.memory_space<vmem>>, vector<1000x8xf32>,
    return
  }
  func.func @transform_0(%arg0: i32) -> (i32, i32, i32) {
    %c0_i32 = arith.constant 0 : i32
    %c0_i32_0 = arith.constant 0 : i32
    %c0_i32_1 = arith.constant 0 : i32
    return %c0_i32, %arg0, %c0_i32_0 : i32, i32, i32
  }
  func.func @transform_1(%arg0: i32) -> (i32, i32) {
    %c0_i32 = arith.constant 0 : i32
    %c0_i32_0 = arith.constant 0 : i32
    return %arg0, %c0_i32 : i32, i32
  }
  func.func @transform_2(%arg0: i32) -> (i32, i32) {
    %c0_i32 = arith.constant 0 : i32
    %c0_i32_0 = arith.constant 0 : i32
    return %arg0, %c0_i32 : i32, i32
  }
  func.func @transform_3(%arg0: i32) -> (i32, i32) {
    %c0_i32 = arith.constant 0 : i32
    %c0_i32_0 = arith.constant 0 : i32
    %c0_i32_1 = arith.constant 0 : i32
    return %c0_i32, %c0_i32_0 : i32, i32
  }
  func.func @transform_4(%arg0: i32) -> (i32, i32) {
    %c0_i32 = arith.constant 0 : i32
    %c0_i32_0 = arith.constant 0 : i32
    %c0_i32_1 = arith.constant 0 : i32
    return %c0_i32, %c0_i32_0 : i32, i32
  }
  func.func @transform_5(%arg0: i32) -> (i32, i32) {
    %c0_i32 = arith.constant 0 : i32
    %c0_i32_0 = arith.constant 0 : i32
    %c0_i32_1 = arith.constant 0 : i32
    return %c0_i32, %c0_i32_0 : i32, i32
  }
  func.func @transform_6(%arg0: i32) -> (i32, i32) {
    %c0_i32 = arith.constant 0 : i32
    %c0_i32_0 = arith.constant 0 : i32
    return %arg0, %c0_i32 : i32, i32
  }
}

</mosaic_0001>

<sc_bundles>
// kernel: kernel.11.cloned.1.call-start
scs
__scs_entry_jumppad:
0x0: {  	(pc) =	sbr.rel $0x88, $3  }
0x1: {  	(tag) =	ssettag $0x0;
	lr =	simm.s32 $0x1  }
0x2: {  	[smem:$0x3F99] =	sst lr;
	_ =	strace $0xD0000000  }
0x3: {  	_ = 	snop  }
0x4: {  	_ = 	snop  }
0x5: {  	_ = 	snop  }
0x6: {  	_ = 	snop  }
0x7: {  	_ = 	snop  }
__scs_overlays_trampoline_lowered:
0x8: {  	[smem:$0x3FA8] =	sst s0  }
0x9: {  	[smem:$0x3FA9] =	sst s1  }
0xa: {  	[smem:$0x3FAA] =	sst s2  }
0xb: {  	[smem:$0x3FAB] =	sst s3  }
0xc: {  	[smem:$0x3FAC] =	sst s4  }
0xd: {  	[smem:$0x3FAD] =	sst s5  }
0xe: {  	[smem:$0x3FAE] =	sst s6  }
0xf: {  	[smem:$0x3FAF] =	sst s7  }
0x10: {  	[smem:$0x3FB0] =	sst s8  }
0x11: {  	[smem:$0x3FB1] =	sst s9;
	s0 =	simm.s32 @!p0 $0x0  }
0x12: {  	s1 =	sld [smem:$0x3F97];
	s0 =	simm.s32 @p0 $0x1  }
0x13: {  	[smem:$0x3FB2] =	sst s0;
	s0 =	simm.s32 @!p1 $0x0  }
0x14: {  	s2 =	sld [smem:$0x3F96];
	s0 =	simm.s32 @p1 $0x1  }
0x15: {  	[smem:$0x3FB3] =	sst s0;
	s0 =	simm.s32 @!p2 $0x0  }
0x16: {  	s3 =	sld [smem:$0x3FDB];
	s0 =	simm.s32 @p2 $0x1  }
0x17: {  	s4 =	simm.s32 $0x1BF5;
	[smem:$0x3FB5] =	sst s0  }
0x18: {  	s0 =	sld [smem:$0x3F98];
	_ =	swait.ge [sflag:s4], $0x0  }
0x19: {  	s7 =	sld [smem:$0x3F99]  }
0x1a: {  	s8 =	sadd.s32 $0xFFFFE003, lr  }
0x1b: {  	s9 =	sadd.s32 $0xFFFFFEF7, lr;
	s5 =	simm.s32 $0xFFFFFFFF;
	p2 =	slt.u32 s8, $0xFFFFF086  }
0x1c: {  	p1 =	slt.u32 s9, $0xF7A;
	s5 =	simm.s32 @!p2 $0x0  }
0x1d: {  	s5 =	simm.s32 @p1 $0x1;
	p0 =	seq.s32 s7, s2  }
0x1e: {  	s7 =	smul.u32 @!p0 $0xF7A, s2;
	p2 =	seq.s32 @!p0 s5, $0x0  }
0x1f: {  	s9 =	smul.u32 $0xF7A, s1;
	s8 =	simm.s32 @!p0 $0x1BF5;
	p2 =	por !p2, p0  }
0x20: {  	[sflag:s8] =	ssyncset.s32 @!p0 $0xFFFFF086;
	s6 =	sadd.s32 @!p0 s3, s7;
	s7 =	simm.s32 @!p0 $0x108  }
0x21: {  	s3 =	sadd.s32 s3, s9;
	s6 =	sadd.s32 @!p0 $0x88, s6;
	s7 =	simm.s32 @p2 $0x1082  }
0x22: {  	[simem:s7], [sflag:s8] =	dma.local @!p0 [hbm:s6], $0xF7A  }
0x23: {  	s9 =	sor.u32 $0xD0000000, s2;
	s6 =	simm.s32 $0x108;
	_ =	swait.ge @!p0 [sflag:s8], $0x0  }
0x24: {  	s3 =	sadd.s32 $0x88, s3;
	s6 =	simm.s32 @!p1 $0x1082;
	[sflag:s4] =	ssyncset.s32 $0xFFFFF086  }
0x25: {  	[simem:s6], [sflag:s4] =	dma.local [hbm:s3], $0xF7A  }
0x26: {  	[smem:$0x3F99] =	sst s1;
	(tag) =	ssettag s2;
	_ =	strace s9  }
0x27: {  	s1 =	sld [smem:$0x3FA9]  }
0x28: {  	s2 =	sld [smem:$0x3FAA]  }
0x29: {  	s4 =	sld [smem:$0x3FAC]  }
0x2a: {  	p0 =	seq.s32 s5, $0x0;
	s5 =	sld [smem:$0x3FAD]  }
0x2b: {  	s6 =	sld [smem:$0x3FAE]  }
0x2c: {  	s7 =	sld [smem:$0x3FAF]  }
0x2d: {  	s3 =	simm.s32 $0x108;
	s8 =	sld [smem:$0x3FB0]  }
0x2e: {  	s3 =	simm.s32 @!p0 $0x1082;
	s9 =	sld [smem:$0x3FB1]  }
0x2f: {  	lr =	sadd.s32 s0, s3;
	s0 =	sld [smem:$0x3FA8]  }
0x30: {  	s3 =	sld [smem:$0x3FAB]  }
0x31: {  	[smem:$0x3FB4] =	sst s10  }
0x32: {  	s10 =	sld [smem:$0x3FB2];
	_ =	sdelay $0x3  }
0x33: {  	p0 =	seq.s32 s10, $0x1;
	s10 =	sld [smem:$0x3FB4];
	_ =	sdelay $0x3  }
0x34: {  	[smem:$0x3FB4] =	sst s10  }
0x35: {  	s10 =	sld [smem:$0x3FB3];
	_ =	sdelay $0x3  }
0x36: {  	p1 =	seq.s32 s10, $0x1;
	s10 =	sld [smem:$0x3FB4];
	_ =	sdelay $0x3  }
0x37: {  	[smem:$0x3FB4] =	sst s10  }
0x38: {  	s10 =	sld [smem:$0x3FB5]  }
0x39: {  	_ = 	snop;
	(pc) =	sbr.ind lr, $3  }
0x3a: {  	_ = 	snop  }
0x3b: {  	_ = 	snop  }
0x3c: {  	p2 =	seq.s32 s10, $0x1;
	s10 =	sld [smem:$0x3FB4]  }
0x3d: {  	_ =	shalt  }
0x3e: {  	_ =	shalt  }
0x3f: {  	_ =	shalt  }
0x40: {  	_ =	shalt  }
0x41: {  	_ =	shalt  }
0x42: {  	_ =	shalt  }
0x43: {  	_ =	shalt  }
0x44: {  	_ =	shalt  }
0x45: {  	_ =	shalt  }
0x46: {  	_ =	shalt  }
0x47: {  	_ =	shalt  }
0x48: {  	_ =	shalt  }
0x49: {  	_ =	shalt  }
0x4a: {  	_ =	shalt  }
0x4b: {  	_ =	shalt  }
0x4c: {  	_ =	shalt  }
0x4d: {  	_ =	shalt  }
0x4e: {  	_ =	shalt  }
0x4f: {  	_ =	shalt  }
0x50: {  	_ =	shalt  }
0x51: {  	_ =	shalt  }
0x52: {  	_ =	shalt  }
0x53: {  	_ =	shalt  }
0x54: {  	_ =	shalt  }
0x55: {  	_ =	shalt  }
0x56: {  	_ =	shalt  }
0x57: {  	_ =	shalt  }
0x58: {  	_ =	shalt  }
0x59: {  	_ =	shalt  }
0x5a: {  	_ =	shalt  }
0x5b: {  	_ =	shalt  }
0x5c: {  	_ =	shalt  }
0x5d: {  	_ =	shalt  }
0x5e: {  	_ =	shalt  }
0x5f: {  	_ =	shalt  }
0x60: {  	_ =	shalt  }
0x61: {  	_ =	shalt  }
0x62: {  	_ =	shalt  }
0x63: {  	_ =	shalt  }
0x64: {  	_ =	shalt  }
0x65: {  	_ =	shalt  }
0x66: {  	_ =	shalt  }
0x67: {  	_ =	shalt  }
0x68: {  	_ =	shalt  }
0x69: {  	_ =	shalt  }
0x6a: {  	_ =	shalt  }
0x6b: {  	_ =	shalt  }
0x6c: {  	_ =	shalt  }
0x6d: {  	_ =	shalt  }
0x6e: {  	_ =	shalt  }
0x6f: {  	_ =	shalt  }
0x70: {  	_ =	shalt  }
0x71: {  	_ =	shalt  }
0x72: {  	_ =	shalt  }
0x73: {  	_ =	shalt  }
0x74: {  	_ =	shalt  }
0x75: {  	_ =	shalt  }
0x76: {  	_ =	shalt  }
0x77: {  	_ =	shalt  }
0x78: {  	_ =	shalt  }
0x79: {  	_ =	shalt  }
0x7a: {  	_ =	shalt  }
0x7b: {  	_ =	shalt  }
0x7c: {  	_ =	shalt  }
0x7d: {  	_ =	shalt  }
0x7e: {  	_ =	shalt  }
0x7f: {  	_ =	shalt  }
0x80: {  	_ =	shalt  }
0x81: {  	_ =	shalt  }
0x82: {  	_ =	shalt  }
0x83: {  	_ =	shalt  }
0x84: {  	_ =	shalt  }
0x85: {  	_ =	shalt  }
0x86: {  	_ =	shalt  }
0x87: {  	_ =	shalt  }
.Lfunc_end0:
.L_simem_size_0:
called_computation.1_lowered:
.L_overlay_start_0:
0x88: {  	s2 =	sld [smem:$0x3FD9]  }
0x89: {  	s3 =	sld [smem:$0x3FFE];
	_ =	sdelay $0x1  }
0x8a: {  	s1 =	srdreg.scid  }
0x8b: {  	s0 =	sand.u32 $0x1, s1  }
0x8c: {  	s16 =	sshll.u32 s0, $0xA;
	s2 =	sadd.s32 s3, s2  }
0x8d: {  	s2 =	sadd.s32 s2, s16  }
0x8e: {  	[smem:$0x3FC0] =	sst s2  }
0x8f: {  	_ = 	snop  }
0x90: {  	(tm) =	ssettm $0x1  }
0x91: {  	s17 =	sld [smem:$0x3FFB];
	_ =	sdelay $0x3  }
0x92: {  	_ =	strace s17  }
0x93: {  	s2 =	sld [smem:$0x3FFC];
	_ =	sdelay $0x3  }
0x94: {  	_ =	strace s2  }
0x95: {  	s2 =	sld [smem:$0x3FFD];
	_ =	sdelay $0x3  }
0x96: {  	_ =	strace s2  }
0x97: {  	_ =	strace $0x8FFFFFFF  }
0x98: {  	s18 =	sld [smem:$0x3FDB];
	_ =	sdelay $0x1  }
0x99: {  	s19 =	simm.s32 $_scs_section_size  }
0x9a: {  	s4 =	simm.s32 $_size__tile_overlayer_lowered;
	s5 =	simm.s32 $_tile_overlayer_lowered  }
0x9b: {  	s22 =	simm.s32 $0x1BFF;
	s21 =	sshll.u32 s5, $0x1;
	s2 =	sadd.s32 s19, s18  }
0x9c: {  	s6 =	simm.s32 $0x0;
	s20 =	sshll.u32 s4, $0x1;
	s4 =	sadd.s32 s21, s2  }
0x9d: {  	[timem:s6], [sflag:s22] =	dma.local [hbm:s4], s20  }
0x9e: {  	_ =	swait.ge [sflag:s22], s20  }
0x9f: {  	s3 =	ssub.s32 $0x0, s20;
	[sflag:s22] =	ssyncset.done $0x0  }
0xa0: {  	[sflag:s22] =	ssyncadd.s32 s3;
	_ =	sdelay $0x1  }
0xa1: {  	s23 =	simm.s32 $0x1B8B  }
0xa2: {  	_ =	swait.ge [sflag:s23], $0x1  }
0xa3: {  	[sflag:s23] =	ssyncset.done $0x0  }
0xa4: {  	s25 =	simm.s32 $0x1B8E;
	s24 =	sld [smem:$0x3FFE];
	[sflag:s23] =	ssyncadd.s32 $0xFFFFFFFF  }
0xa5: {  	s26 =	simm.s32 $execute0_lowered;
	[smem:$0x3FD2] =	sst s25  }
0xa6: {  	s4 =	sshll.u32 s26, $0x1;
	_ =	strace $0x80000049;
	[dreg:$0x1] =	wrdreg $0xFFFFFFFF  }
0xa7: {  	s28 =	simm.s32 $_size_execute0_lowered;
	s2 =	sadd.s32 s2, s4;
	[dreg:$0x0] =	wrdreg $0x0  }
0xa8: {  	s4 =	sshll.u32 s28, $0x1;
	[dreg:$0x2] =	wrdreg s2  }
0xa9: {  	[dreg:$0x3] =	wrdreg s4  }
0xaa: {  	[dreg:$0x4] =	wrdreg $0xC0  }
0xab: {  	_ =	task [dreg:s6], $0x5FFFF  }
0xac: {  	[dreg:$0x1] =	wrdreg $0xFFFFFFFF  }
0xad: {  	[dreg:$0x0] =	wrdreg $0x60  }
0xae: {  	[dreg:$0x2] =	wrdreg s24  }
0xaf: {  	[dreg:$0x3] =	wrdreg $0x8F000  }
0xb0: {  	[dreg:$0x4] =	wrdreg $0x12B400  }
0xb1: {  	[dreg:$0x5] =	wrdreg $0x9  }
0xb2: {  	_ =	task.clear_ibuf [dreg:s6], $0x6FFFF;
	_ =	strace $0x90000049  }
0xb3: {  	s29 =	simm.s32 $0x9;
	_ =	strace $0x8000004B  }
0xb4: {  	_ =	swait.ge [sflag:s29], $0x1  }
0xb5: {  	[sflag:s29] =	ssyncadd.s32 $0xFFFFFFFF  }
0xb6: {  	_ =	strace $0x9000004B  }
0xb7: {  	_ =	sfence  }
0xb8: {  	s30 =	sld [smem:$0x0];
	_ =	sdelay $0x2  }
0xb9: {  	s31 =	sshll.u32 s1, $0xD;
	s1 =	sshrl.u32 s1, $0x2  }
0xba: {  	s3 =	sand.u32 $0x4000, s31;
	s1 =	sadd.s32 s1, s30  }
0xbb: {  	s0 =	sor.u32 s3, s0;
	s1 =	sshll.u32 s1, $0x11  }
0xbc: {  	s0 =	sor.u32 s1, s0  }
0xbd: {  	s0 =	sadd.s32 $0x8F2B, s0  }
0xbe: {  	[sflag:s0] =	ssyncadd.remote.s32 $0x1  }
0xbf: {  	_ =	sfence.sel $0xFFFF  }
0xc0: {  	[dreg:$0x0] =	wrdreg $0xFFFFFFFF;
	(pc) =	sbr.abs _section_cstart, $3  }
0xc1: {  	[dreg:$0x1] =	wrdreg $0xFFFFFFFF  }
0xc2: {  	_ =	task.clear_ibuf [dreg:s6], $0x2FFFF;
	_ =	strace $0x9FFFFFFF  }
0xc3: {  	(tm) =	ssettm $0x7FFFFFFF  }
tec
execute0_lowered:
.L_overlay_start_1:
0x0: {  	(tag) =	ssettag $0x1  }
0x1: {  	s5 =	rddreg [dreg:$0x0]  }
0x2: {  	s2 =	rddreg [dreg:$0x1]  }
0x3: {  	s0 =	stileid.u32;
	s3 =	rddreg [dreg:$0x2]  }
0x4: {  	s4 =	simm.s32 $0x0;
	s6 =	srdreg.scid;
	s20 =	simm.s32 $0x6F00  }
0x5: {  	s21 =	simm.s32 $0x1;
	s22 =	simm.s32 $0x4;
	s23 =	simm.s32 $0x2  }
0x6: {  	s26 =	simm.s32 $0x4D80;
	s28 =	simm.s32 $0x4E00;
	s29 =	simm.s32 $0x0  }
0x7: {  	s10 =	smul.u32 $0x9C40, s0;
	[smem:$0x7FF] =	sst s4;
	s6 =	sand.u32 $0x1, s6  }
0x8: {  	s12 =	sadd.s32 $0x1A00, s5;
	s16 =	sadd.s32 $0xB640, s5;
	s18 =	sshll.u32 s0, $0x4  }
0x9: {  	_ =	strace $0x8000004A;
	s7 =	sshll.u32 s6, $0x4;
	s8 =	smul.u32 $0x13880, s6  }
0xa: {  	s6 =	ssub.s32 $0x2, s6;
	s18 =	sor.u32 $0x9C00, s18;
	s24 =	sshrl.u32 s10, $0x3  }
0xb: {  	s14 =	sor.u32 s0, s7;
	s31 =	sshrl.u32 s6, $0x1;
	s17 =	sadd.s32 s10, s2  }
0xc: {  	s19 =	sadd.s32 s10, s3;
	s11 =	sadd.s32 s24, s5;
	s9 =	smul.u32 $0x4E0, s14  }
0xd: {  	s13 =	sadd.s32 s8, s5;
	s15 =	ssub.s32 s6, s31;
	s8 =	sshll.u32 s0, $0x6  }
0xe: {  	p0 =	sgt.u32 s14, $0x3;
	s14 =	simm.s32 $0x2780;
	s7 =	sadd.s32 $0x28E00, s11  }
0xf: {  	s10 =	sadd.s32 $0x15400, s11;
	s11 =	sadd.s32 s12, s18;
	s25 =	sadd.s32 $0x3C800, s13  }
0x10: {  	s13 =	smax.u32 s15, $0x1;
	s15 =	sshrl.u32 s17, $0x3;
	s17 =	simm.s32 $0x3  }
0x11: {  	s5 =	sadd.s32 s12, s9;
	s6 =	sadd.s32 s9, s16;
	s9 =	sor.u32 $0x1C03, s8  }
0x12: {  	s12 =	sadd.s32 s18, s16;
	s16 =	sshrl.u32 s19, $0x3;
	s18 =	simm.s32 $0x80  }
0x13: {  	s19 =	simm.s32 $0x4F00;
	s24 =	sadd.s32 s24, s25;
	s25 =	simm.s32 $0x2680  }
.LBB2_1:
0x14: {  	[tilespmem:s4], [sflag:$0x3] =	stream.linear.gather [hbm4b:s5+s4], $0x2700, $0x38;
	[tilespmem:$0x1C780] =	vst v63  }
0x15: {  	s30 =	simm.s32 @!p0 $0x0;
	s31 =	simm.s32 @!p0 $0x2700  }
0x16: {  	[tilespmem:s14], [sflag:$0x3] =	stream.linear.gather [hbm4b:s6+s4], $0x2700, $0x38;
	[tilespmem:$0x1C780] =	vst v63  }
0x17: {  	[spmem:s15], [sflag:s9] =	dma.local [hbm:s7], $0x1388  }
0x18: {  	[spmem:s16], [sflag:s9] =	dma.local [hbm:s10], $0x1388  }
0x19: {  	[tilespmem:s31], [sflag:$0x4] =	stream.linear.gather @!p0 [hbm4b:s11+s30], $0x80, $0x38;
	[tilespmem:$0x1C780] =	vst v63  }
0x1a: {  	s31 =	simm.s32 @!p0 $0x4  }
0x1b: {  	_ =	swait.ge @!p0 [sflag:s31], $0x80  }
0x1c: {  	[sflag:s31] =	ssyncset.done @!p0 $0x0  }
0x1d: {  	s1 =	simm.s32 @!p0 $0x4E80;
	[sflag:s31] =	ssyncadd.s32 @!p0 $0xFFFFFF80  }
0x1e: {  	[tilespmem:s1], [sflag:$0x4] =	stream.linear.gather @!p0 [hbm4b:s12+s30], $0x80, $0x38;
	[tilespmem:$0x1C780] =	vst v63  }
0x1f: {  	_ =	swait.ge @!p0 [sflag:s31], $0x80  }
0x20: {  	[sflag:s31] =	ssyncset.done @!p0 $0x0  }
0x21: {  	[sflag:s31] =	ssyncadd.s32 @!p0 $0xFFFFFF80  }
0x22: {  	_ =	swait.ge [sflag:s17], $0x2700  }
0x23: {  	[sflag:s17] =	ssyncset.done $0x0  }
0x24: {  	[sflag:s17] =	ssyncadd.s32 $0xFFFFD900  }
0x25: {  	_ =	swait.ge [sflag:s17], $0x2700  }
0x26: {  	[sflag:s17] =	ssyncset.done $0x0  }
0x27: {  	[sflag:s17] =	ssyncadd.s32 $0xFFFFD900  }
0x28: {  	_ =	swait.ge [sflag:s17], $0x1388  }
0x29: {  	[sflag:s17] =	ssyncset.done $0x0  }
0x2a: {  	[sflag:s17] =	ssyncadd.s32 $0xFFFFEC78  }
0x2b: {  	_ =	swait.ge [sflag:s17], $0x1388  }
0x2c: {  	[sflag:s17] =	ssyncset.done $0x0  }
0x2d: {  	[sflag:s17] =	ssyncadd.s32 $0xFFFFEC78  }
0x2e: {  	[bflag:$0x0] =	sbarrier.arrive $0xFFFF  }
0x2f: {  	[tilespmem:s19], [sflag:$0x1] =	stream.indirect.gather [spmem:s3], $0x40, s4, s18, $0xb8;
	[tilespmem:$0x1C780] =	vst v63  }
0x30: {  	s0 =	simm.s32 $0x80  }
0x31: {  	[tilespmem:s20], [sflag:$0x2] =	stream.indirect.gather [spmem:s3], $0x40, s0, s18, $0xb8;
	[tilespmem:$0x1C780] =	vst v63  }
0x32: {  	_ =	swait.ge [sflag:s21], $0x2000  }
0x33: {  	[sflag:s21] =	ssyncset.done $0x0  }
0x34: {  	s0 =	simm.s32 $0x2780;
	[sflag:s21] =	ssyncadd.s32 $0xFFFFE000  }
0x35: {  	[spmem:s2] =	stream.indirect.scatter.add.f32 [tilespmem:s19], [sflag:$0x4], $0x40, s0, s18, $0xb8;
	[tilespmem:$0x1C780] =	vst v63  }
0x36: {  	_ =	swait.ge [sflag:s22], $0x2000  }
0x37: {  	[sflag:s22] =	ssyncset.done $0x0  }
0x38: {  	[sflag:s22] =	ssyncadd.s32 $0xFFFFE000  }
0x39: {  	_ =	swait.ge [sflag:s23], $0x2000  }
0x3a: {  	[sflag:s23] =	ssyncset.done $0x0  }
0x3b: {  	s0 =	simm.s32 $0x100;
	[sflag:s23] =	ssyncadd.s32 $0xFFFFE000  }
0x3c: {  	[tilespmem:s19], [sflag:$0x1] =	stream.indirect.gather [spmem:s3], $0x40, s0, s18, $0xb8;
	[tilespmem:$0x1C780] =	vst v63  }
0x3d: {  	s0 =	simm.s32 $0x2800  }
0x3e: {  	[spmem:s2] =	stream.indirect.scatter.add.f32 [tilespmem:s20], [sflag:$0x4], $0x40, s0, s18, $0xb8;
	[tilespmem:$0x1C780] =	vst v63  }
0x3f: {  	_ =	swait.ge [sflag:s22], $0x2000  }
0x40: {  	s30 =	simm.s32 $0x400;
	s31 =	simm.s32 $0x800;
	[sflag:s22] =	ssyncset.done $0x0  }
.LBB2_2:
0x41: {  	s1 =	sshra.s32 s30, $0x2  }
0x42: {  	[sflag:s22] =	ssyncadd.s32 $0xFFFFE000;
	s30 =	smov.u32 s31;
	s0 =	sadd.s32 $0x400, s31  }
0x43: {  	p1 =	sne.s32 s31, $0x9400;
	s31 =	sadd.s32 $0x80, s1  }
0x44: {  	[tilespmem:s20], [sflag:$0x2] =	stream.indirect.gather [spmem:s3], $0x40, s31, s18, $0xb8;
	[tilespmem:$0x1C780] =	vst v63  }
0x45: {  	_ =	swait.ge [sflag:s21], $0x2000  }
0x46: {  	[sflag:s21] =	ssyncset.done $0x0  }
0x47: {  	s31 =	sadd.s32 $0x2780, s1;
	[sflag:s21] =	ssyncadd.s32 $0xFFFFE000  }
0x48: {  	[spmem:s2] =	stream.indirect.scatter.add.f32 [tilespmem:s19], [sflag:$0x4], $0x40, s31, s18, $0xb8;
	[tilespmem:$0x1C780] =	vst v63  }
0x49: {  	_ =	swait.ge [sflag:s22], $0x2000  }
0x4a: {  	[sflag:s22] =	ssyncset.done $0x0  }
0x4b: {  	[sflag:s22] =	ssyncadd.s32 $0xFFFFE000  }
0x4c: {  	_ =	swait.ge [sflag:s23], $0x2000  }
0x4d: {  	[sflag:s23] =	ssyncset.done $0x0  }
0x4e: {  	s31 =	sadd.s32 $0x100, s1;
	[sflag:s23] =	ssyncadd.s32 $0xFFFFE000  }
0x4f: {  	[tilespmem:s19], [sflag:$0x1] =	stream.indirect.gather [spmem:s3], $0x40, s31, s18, $0xb8;
	[tilespmem:$0x1C780] =	vst v63  }
.Ltmp0:
0x50: {  	_ = 	snop;
	(pc) =	sbr.rel @p1 .LBB2_2-.Ltmp0, $4  }
0x51: {  	s1 =	sadd.s32 $0x2800, s1  }
0x52: {  	[spmem:s2] =	stream.indirect.scatter.add.f32 [tilespmem:s20], [sflag:$0x4], $0x40, s1, s18, $0xb8;
	[tilespmem:$0x1C780] =	vst v63  }
0x53: {  	_ =	swait.ge [sflag:s22], $0x2000  }
0x54: {  	s31 =	smov.u32 s0;
	[sflag:s22] =	ssyncset.done $0x0  }
0x55: {  	s0 =	sshra.s32 s30, $0x2  }
0x56: {  	[sflag:s22] =	ssyncadd.s32 $0xFFFFE000;
	s1 =	sadd.s32 $0x80, s0  }
0x57: {  	[tilespmem:s20], [sflag:$0x2] =	stream.indirect.gather [spmem:s3], $0x40, s1, s18, $0xb8;
	[tilespmem:$0x1C780] =	vst v63  }
0x58: {  	_ =	swait.ge [sflag:s21], $0x2000  }
0x59: {  	[sflag:s21] =	ssyncset.done $0x0  }
0x5a: {  	s31 =	sadd.s32 $0x2780, s0;
	[sflag:s21] =	ssyncadd.s32 $0xFFFFE000  }
0x5b: {  	[spmem:s2] =	stream.indirect.scatter.add.f32 [tilespmem:s19], [sflag:$0x4], $0x40, s31, s18, $0xb8;
	[tilespmem:$0x1C780] =	vst v63  }
0x5c: {  	_ =	swait.ge [sflag:s22], $0x2000  }
0x5d: {  	[sflag:s22] =	ssyncset.done $0x0  }
0x5e: {  	[sflag:s22] =	ssyncadd.s32 $0xFFFFE000  }
0x5f: {  	_ =	swait.ge [sflag:s23], $0x2000  }
0x60: {  	[sflag:s23] =	ssyncset.done $0x0  }
0x61: {  	s30 =	sadd.s32 $0x100, s0;
	[sflag:s23] =	ssyncadd.s32 $0xFFFFE000  }
0x62: {  	[tilespmem:s19], [sflag:$0x1] =	stream.indirect.gather [spmem:s3], $0x40, s30, s18, $0xb8;
	[tilespmem:$0x1C780] =	vst v63  }
0x63: {  	s0 =	sadd.s32 $0x2800, s0  }
0x64: {  	[spmem:s2] =	stream.indirect.scatter.add.f32 [tilespmem:s20], [sflag:$0x4], $0x40, s0, s18, $0xb8;
	[tilespmem:$0x1C780] =	vst v63  }
0x65: {  	_ =	swait.ge [sflag:s22], $0x2000  }
0x66: {  	[sflag:s22] =	ssyncset.done $0x0  }
0x67: {  	[sflag:s22] =	ssyncadd.s32 $0xFFFFE000  }
0x68: {  	[tilespmem:s20], [sflag:$0x2] =	stream.indirect.gather [spmem:s3], $0x40, s25, s18, $0xb8;
	[tilespmem:$0x1C780] =	vst v63  }
0x69: {  	_ =	swait.ge [sflag:s21], $0x2000  }
0x6a: {  	[sflag:s21] =	ssyncset.done $0x0  }
0x6b: {  	[sflag:s21] =	ssyncadd.s32 $0xFFFFE000  }
0x6c: {  	[spmem:s2] =	stream.indirect.scatter.add.f32 [tilespmem:s19], [sflag:$0x4], $0x40, s26, s18, $0xb8;
	[tilespmem:$0x1C780] =	vst v63  }
0x6d: {  	_ =	swait.ge [sflag:s22], $0x2000  }
0x6e: {  	[sflag:s22] =	ssyncset.done $0x0  }
0x6f: {  	[sflag:s22] =	ssyncadd.s32 $0xFFFFE000  }
0x70: {  	_ =	swait.ge [sflag:s23], $0x2000  }
0x71: {  	[sflag:s23] =	ssyncset.done $0x0  }
0x72: {  	[sflag:s23] =	ssyncadd.s32 $0xFFFFE000  }
0x73: {  	[spmem:s2] =	stream.indirect.scatter.add.f32 [tilespmem:s20], [sflag:$0x4], $0x40, s28, s18, $0xb8;
	[tilespmem:$0x1C780] =	vst v63  }
0x74: {  	_ =	swait.ge [sflag:s22], $0x2000  }
0x75: {  	s1 =	simm.s32 @!p0 $0x2700;
	[sflag:s22] =	ssyncset.done $0x0  }
0x76: {  	s30 =	simm.s32 @!p0 $0x4F00;
	s0 =	simm.s32 @!p0 $0x80;
	[sflag:s22] =	ssyncadd.s32 $0xFFFFE000  }
0x77: {  	[tilespmem:s30], [sflag:$0x1] =	stream.indirect.gather @!p0 [spmem:s3], $0x40, s1, s0, $0xb8;
	[tilespmem:$0x1C780] =	vst v63  }
0x78: {  	s1 =	simm.s32 @!p0 $0x1  }
0x79: {  	_ =	swait.ge @!p0 [sflag:s1], $0x2000  }
0x7a: {  	[sflag:s1] =	ssyncset.done @!p0 $0x0  }
0x7b: {  	[sflag:s1] =	ssyncadd.s32 @!p0 $0xFFFFE000;
	s1 =	simm.s32 @!p0 $0x4E80  }
0x7c: {  	[spmem:s2] =	stream.indirect.scatter.add.f32 @!p0 [tilespmem:s30], [sflag:$0x4], $0x40, s1, s0, $0xb8;
	[tilespmem:$0x1C780] =	vst v63  }
0x7d: {  	s0 =	simm.s32 @!p0 $0x4  }
0x7e: {  	_ =	swait.ge @!p0 [sflag:s0], $0x2000  }
0x7f: {  	s29 =	sadd.s32 $0x1, s29;
	[sflag:s0] =	ssyncset.done @!p0 $0x0  }
0x80: {  	p1 =	sne.s32 s29, s13;
	[sflag:s0] =	ssyncadd.s32 @!p0 $0xFFFFE000  }
.Ltmp1:
0x81: {  	s31 =	sor.u32 $0x1C04, s8;
	[bflag:$0x0] =	sbarrier.arrive $0xFFFF;
	(pc) =	sbr.rel @p1 .LBB2_1-.Ltmp1, $4  }
0x82: {  	[hbm:s24], [sflag:s31] =	dma.local [spmem:s15], $0x1388  }
0x83: {  	_ =	swait.ge [sflag:s22], $0x1388  }
0x84: {  	[sflag:s22] =	ssyncset.done $0x0  }
0x85: {  	[sflag:s22] =	ssyncadd.s32 $0xFFFFEC78  }
0x86: {  	_ =	sfence.sel $0x180000  }
0x87: {  	[bflag:$0x0] =	sbarrier.arrive $0xFFFF  }
0x88: {  	_ =	strace $0x9000004A  }
0x89: {  	s0 =	stileid.u32;
	[bflag:$0x2] =	sbarrier.arrive $0xFFFF  }
0x8a: {  	p0 =	sne.s32 s0, $0x0;
	s0 =	rddreg [dreg:$0x3]  }
0x8b: {  	s0 =	sadd.s32 @!p0 $0x100000, s0  }
0x8c: {  	[sflag:s0] =	ssyncadd.tile.s32 @!p0 $0x1;
	_ =	shalt  }
.Lfunc_end2:
_tile_overlayer_lowered:
.L_overlay_start_2:
0x8d: {  	(tag) =	ssettag $0x2  }
0x8e: {  	s0 =	rddreg [dreg:$0x0];
	s2 =	stileid.u32  }
0x8f: {  	s1 =	rddreg [dreg:$0x1];
	p0 =	sne.s32 s2, $0x0  }
0x90: {  	s3 =	rddreg [dreg:$0x2];
	[bflag:$0x3] =	sbarrier.arrive $0xFFFF;
	s2 =	simm.s32 @!p0 $0x1C04  }
0x91: {  	[timem:s3], [sflag:s2] =	dma.local @!p0 [hbm:s0], s1  }
0x92: {  	s0 =	simm.s32 @!p0 $0x4  }
0x93: {  	_ =	swait.ge @!p0 [sflag:s0], s1  }
0x94: {  	s1 =	ssub.s32 @!p0 $0x0, s1;
	[sflag:s0] =	ssyncset.done @!p0 $0x0  }
0x95: {  	[sflag:s0] =	ssyncadd.s32 @!p0 s1  }
0x96: {  	[bflag:$0x3] =	sbarrier.arrive $0xFFFF  }
0x97: {  	_ =	shalt  }

// kernel: kernel.14.cloned.1.call-start
scs
__scs_entry_jumppad:
0x0: {  	(pc) =	sbr.rel $0x88, $3  }
0x1: {  	(tag) =	ssettag $0x0;
	lr =	simm.s32 $0x1  }
0x2: {  	[smem:$0x3F99] =	sst lr;
	_ =	strace $0xD0000000  }
0x3: {  	_ = 	snop  }
0x4: {  	_ = 	snop  }
0x5: {  	_ = 	snop  }
0x6: {  	_ = 	snop  }
0x7: {  	_ = 	snop  }
__scs_overlays_trampoline_lowered:
0x8: {  	[smem:$0x3FA8] =	sst s0  }
0x9: {  	[smem:$0x3FA9] =	sst s1  }
0xa: {  	[smem:$0x3FAA] =	sst s2  }
0xb: {  	[smem:$0x3FAB] =	sst s3  }
0xc: {  	[smem:$0x3FAC] =	sst s4  }
0xd: {  	[smem:$0x3FAD] =	sst s5  }
0xe: {  	[smem:$0x3FAE] =	sst s6  }
0xf: {  	[smem:$0x3FAF] =	sst s7  }
0x10: {  	[smem:$0x3FB0] =	sst s8  }
0x11: {  	[smem:$0x3FB1] =	sst s9;
	s0 =	simm.s32 @!p0 $0x0  }
0x12: {  	s1 =	sld [smem:$0x3F97];
	s0 =	simm.s32 @p0 $0x1  }
0x13: {  	[smem:$0x3FB2] =	sst s0;
	s0 =	simm.s32 @!p1 $0x0  }
0x14: {  	s2 =	sld [smem:$0x3F96];
	s0 =	simm.s32 @p1 $0x1  }
0x15: {  	[smem:$0x3FB3] =	sst s0;
	s0 =	simm.s32 @!p2 $0x0  }
0x16: {  	s3 =	sld [smem:$0x3FDB];
	s0 =	simm.s32 @p2 $0x1  }
0x17: {  	s4 =	simm.s32 $0x1BF5;
	[smem:$0x3FB5] =	sst s0  }
0x18: {  	s0 =	sld [smem:$0x3F98];
	_ =	swait.ge [sflag:s4], $0x0  }
0x19: {  	s7 =	sld [smem:$0x3F99]  }
0x1a: {  	s8 =	sadd.s32 $0xFFFFE003, lr  }
0x1b: {  	s9 =	sadd.s32 $0xFFFFFEF7, lr;
	s5 =	simm.s32 $0xFFFFFFFF;
	p2 =	slt.u32 s8, $0xFFFFF086  }
0x1c: {  	p1 =	slt.u32 s9, $0xF7A;
	s5 =	simm.s32 @!p2 $0x0  }
0x1d: {  	s5 =	simm.s32 @p1 $0x1;
	p0 =	seq.s32 s7, s2  }
0x1e: {  	s7 =	smul.u32 @!p0 $0xF7A, s2;
	p2 =	seq.s32 @!p0 s5, $0x0  }
0x1f: {  	s9 =	smul.u32 $0xF7A, s1;
	s8 =	simm.s32 @!p0 $0x1BF5;
	p2 =	por !p2, p0  }
0x20: {  	[sflag:s8] =	ssyncset.s32 @!p0 $0xFFFFF086;
	s6 =	sadd.s32 @!p0 s3, s7;
	s7 =	simm.s32 @!p0 $0x108  }
0x21: {  	s3 =	sadd.s32 s3, s9;
	s6 =	sadd.s32 @!p0 $0x88, s6;
	s7 =	simm.s32 @p2 $0x1082  }
0x22: {  	[simem:s7], [sflag:s8] =	dma.local @!p0 [hbm:s6], $0xF7A  }
0x23: {  	s9 =	sor.u32 $0xD0000000, s2;
	s6 =	simm.s32 $0x108;
	_ =	swait.ge @!p0 [sflag:s8], $0x0  }
0x24: {  	s3 =	sadd.s32 $0x88, s3;
	s6 =	simm.s32 @!p1 $0x1082;
	[sflag:s4] =	ssyncset.s32 $0xFFFFF086  }
0x25: {  	[simem:s6], [sflag:s4] =	dma.local [hbm:s3], $0xF7A  }
0x26: {  	[smem:$0x3F99] =	sst s1;
	(tag) =	ssettag s2;
	_ =	strace s9  }
0x27: {  	s1 =	sld [smem:$0x3FA9]  }
0x28: {  	s2 =	sld [smem:$0x3FAA]  }
0x29: {  	s4 =	sld [smem:$0x3FAC]  }
0x2a: {  	p0 =	seq.s32 s5, $0x0;
	s5 =	sld [smem:$0x3FAD]  }
0x2b: {  	s6 =	sld [smem:$0x3FAE]  }
0x2c: {  	s7 =	sld [smem:$0x3FAF]  }
0x2d: {  	s3 =	simm.s32 $0x108;
	s8 =	sld [smem:$0x3FB0]  }
0x2e: {  	s3 =	simm.s32 @!p0 $0x1082;
	s9 =	sld [smem:$0x3FB1]  }
0x2f: {  	lr =	sadd.s32 s0, s3;
	s0 =	sld [smem:$0x3FA8]  }
0x30: {  	s3 =	sld [smem:$0x3FAB]  }
0x31: {  	[smem:$0x3FB4] =	sst s10  }
0x32: {  	s10 =	sld [smem:$0x3FB2];
	_ =	sdelay $0x3  }
0x33: {  	p0 =	seq.s32 s10, $0x1;
	s10 =	sld [smem:$0x3FB4];
	_ =	sdelay $0x3  }
0x34: {  	[smem:$0x3FB4] =	sst s10  }
0x35: {  	s10 =	sld [smem:$0x3FB3];
	_ =	sdelay $0x3  }
0x36: {  	p1 =	seq.s32 s10, $0x1;
	s10 =	sld [smem:$0x3FB4];
	_ =	sdelay $0x3  }
0x37: {  	[smem:$0x3FB4] =	sst s10  }
0x38: {  	s10 =	sld [smem:$0x3FB5]  }
0x39: {  	_ = 	snop;
	(pc) =	sbr.ind lr, $3  }
0x3a: {  	_ = 	snop  }
0x3b: {  	_ = 	snop  }
0x3c: {  	p2 =	seq.s32 s10, $0x1;
	s10 =	sld [smem:$0x3FB4]  }
0x3d: {  	_ =	shalt  }
0x3e: {  	_ =	shalt  }
0x3f: {  	_ =	shalt  }
0x40: {  	_ =	shalt  }
0x41: {  	_ =	shalt  }
0x42: {  	_ =	shalt  }
0x43: {  	_ =	shalt  }
0x44: {  	_ =	shalt  }
0x45: {  	_ =	shalt  }
0x46: {  	_ =	shalt  }
0x47: {  	_ =	shalt  }
0x48: {  	_ =	shalt  }
0x49: {  	_ =	shalt  }
0x4a: {  	_ =	shalt  }
0x4b: {  	_ =	shalt  }
0x4c: {  	_ =	shalt  }
0x4d: {  	_ =	shalt  }
0x4e: {  	_ =	shalt  }
0x4f: {  	_ =	shalt  }
0x50: {  	_ =	shalt  }
0x51: {  	_ =	shalt  }
0x52: {  	_ =	shalt  }
0x53: {  	_ =	shalt  }
0x54: {  	_ =	shalt  }
0x55: {  	_ =	shalt  }
0x56: {  	_ =	shalt  }
0x57: {  	_ =	shalt  }
0x58: {  	_ =	shalt  }
0x59: {  	_ =	shalt  }
0x5a: {  	_ =	shalt  }
0x5b: {  	_ =	shalt  }
0x5c: {  	_ =	shalt  }
0x5d: {  	_ =	shalt  }
0x5e: {  	_ =	shalt  }
0x5f: {  	_ =	shalt  }
0x60: {  	_ =	shalt  }
0x61: {  	_ =	shalt  }
0x62: {  	_ =	shalt  }
0x63: {  	_ =	shalt  }
0x64: {  	_ =	shalt  }
0x65: {  	_ =	shalt  }
0x66: {  	_ =	shalt  }
0x67: {  	_ =	shalt  }
0x68: {  	_ =	shalt  }
0x69: {  	_ =	shalt  }
0x6a: {  	_ =	shalt  }
0x6b: {  	_ =	shalt  }
0x6c: {  	_ =	shalt  }
0x6d: {  	_ =	shalt  }
0x6e: {  	_ =	shalt  }
0x6f: {  	_ =	shalt  }
0x70: {  	_ =	shalt  }
0x71: {  	_ =	shalt  }
0x72: {  	_ =	shalt  }
0x73: {  	_ =	shalt  }
0x74: {  	_ =	shalt  }
0x75: {  	_ =	shalt  }
0x76: {  	_ =	shalt  }
0x77: {  	_ =	shalt  }
0x78: {  	_ =	shalt  }
0x79: {  	_ =	shalt  }
0x7a: {  	_ =	shalt  }
0x7b: {  	_ =	shalt  }
0x7c: {  	_ =	shalt  }
0x7d: {  	_ =	shalt  }
0x7e: {  	_ =	shalt  }
0x7f: {  	_ =	shalt  }
0x80: {  	_ =	shalt  }
0x81: {  	_ =	shalt  }
0x82: {  	_ =	shalt  }
0x83: {  	_ =	shalt  }
0x84: {  	_ =	shalt  }
0x85: {  	_ =	shalt  }
0x86: {  	_ =	shalt  }
0x87: {  	_ =	shalt  }
.Lfunc_end0:
.L_simem_size_0:
called_computation.2_lowered:
.L_overlay_start_0:
0x88: {  	s2 =	sld [smem:$0x3FD9]  }
0x89: {  	s3 =	sld [smem:$0x3FFE];
	_ =	sdelay $0x1  }
0x8a: {  	s1 =	srdreg.scid  }
0x8b: {  	s0 =	sand.u32 $0x1, s1  }
0x8c: {  	s16 =	sshll.u32 s0, $0xA;
	s2 =	sadd.s32 s3, s2  }
0x8d: {  	s2 =	sadd.s32 s2, s16  }
0x8e: {  	[smem:$0x3FC0] =	sst s2  }
0x8f: {  	_ = 	snop  }
0x90: {  	(tm) =	ssettm $0x1  }
0x91: {  	s17 =	sld [smem:$0x3FFB];
	_ =	sdelay $0x3  }
0x92: {  	_ =	strace s17  }
0x93: {  	s2 =	sld [smem:$0x3FFC];
	_ =	sdelay $0x3  }
0x94: {  	_ =	strace s2  }
0x95: {  	s2 =	sld [smem:$0x3FFD];
	_ =	sdelay $0x3  }
0x96: {  	_ =	strace s2  }
0x97: {  	_ =	strace $0x8FFFFFFF  }
0x98: {  	s18 =	sld [smem:$0x3FDB];
	_ =	sdelay $0x1  }
0x99: {  	s19 =	simm.s32 $_scs_section_size  }
0x9a: {  	s4 =	simm.s32 $_size__tile_overlayer_lowered;
	s5 =	simm.s32 $_tile_overlayer_lowered  }
0x9b: {  	s22 =	simm.s32 $0x1BFF;
	s21 =	sshll.u32 s5, $0x1;
	s2 =	sadd.s32 s19, s18  }
0x9c: {  	s6 =	simm.s32 $0x0;
	s20 =	sshll.u32 s4, $0x1;
	s4 =	sadd.s32 s21, s2  }
0x9d: {  	[timem:s6], [sflag:s22] =	dma.local [hbm:s4], s20  }
0x9e: {  	_ =	swait.ge [sflag:s22], s20  }
0x9f: {  	s3 =	ssub.s32 $0x0, s20;
	[sflag:s22] =	ssyncset.done $0x0  }
0xa0: {  	[sflag:s22] =	ssyncadd.s32 s3;
	_ =	sdelay $0x1  }
0xa1: {  	s23 =	simm.s32 $0x1B8B  }
0xa2: {  	_ =	swait.ge [sflag:s23], $0x1  }
0xa3: {  	[sflag:s23] =	ssyncset.done $0x0  }
0xa4: {  	s25 =	simm.s32 $0x1B8E;
	s24 =	sld [smem:$0x3FFE];
	[sflag:s23] =	ssyncadd.s32 $0xFFFFFFFF  }
0xa5: {  	s26 =	simm.s32 $execute0_lowered;
	[smem:$0x3FD2] =	sst s25  }
0xa6: {  	s4 =	sshll.u32 s26, $0x1;
	_ =	strace $0x8000004C;
	[dreg:$0x1] =	wrdreg $0xFFFFFFFF  }
0xa7: {  	s28 =	simm.s32 $_size_execute0_lowered;
	s2 =	sadd.s32 s2, s4;
	[dreg:$0x0] =	wrdreg $0x0  }
0xa8: {  	s4 =	sshll.u32 s28, $0x1;
	[dreg:$0x2] =	wrdreg s2  }
0xa9: {  	[dreg:$0x3] =	wrdreg s4  }
0xaa: {  	[dreg:$0x4] =	wrdreg $0xC0  }
0xab: {  	_ =	task [dreg:s6], $0x5FFFF  }
0xac: {  	[dreg:$0x1] =	wrdreg $0xFFFFFFFF  }
0xad: {  	[dreg:$0x0] =	wrdreg $0x60  }
0xae: {  	[dreg:$0x2] =	wrdreg s24  }
0xaf: {  	[dreg:$0x3] =	wrdreg $0x8F000  }
0xb0: {  	[dreg:$0x4] =	wrdreg $0x12B400  }
0xb1: {  	[dreg:$0x5] =	wrdreg $0x9  }
0xb2: {  	_ =	task.clear_ibuf [dreg:s6], $0x6FFFF;
	_ =	strace $0x9000004C  }
0xb3: {  	s29 =	simm.s32 $0x9;
	_ =	strace $0x8000004E  }
0xb4: {  	_ =	swait.ge [sflag:s29], $0x1  }
0xb5: {  	[sflag:s29] =	ssyncadd.s32 $0xFFFFFFFF  }
0xb6: {  	_ =	strace $0x9000004E  }
0xb7: {  	_ =	sfence  }
0xb8: {  	s30 =	sld [smem:$0x0];
	_ =	sdelay $0x2  }
0xb9: {  	s31 =	sshll.u32 s1, $0xD;
	s1 =	sshrl.u32 s1, $0x2  }
0xba: {  	s3 =	sand.u32 $0x4000, s31;
	s1 =	sadd.s32 s1, s30  }
0xbb: {  	s0 =	sor.u32 s3, s0;
	s1 =	sshll.u32 s1, $0x11  }
0xbc: {  	s0 =	sor.u32 s1, s0  }
0xbd: {  	s0 =	sadd.s32 $0x8F2B, s0  }
0xbe: {  	[sflag:s0] =	ssyncadd.remote.s32 $0x1  }
0xbf: {  	_ =	sfence.sel $0xFFFF  }
0xc0: {  	[dreg:$0x0] =	wrdreg $0xFFFFFFFF;
	(pc) =	sbr.abs _section_cstart, $3  }
0xc1: {  	[dreg:$0x1] =	wrdreg $0xFFFFFFFF  }
0xc2: {  	_ =	task.clear_ibuf [dreg:s6], $0x2FFFF;
	_ =	strace $0x9FFFFFFF  }
0xc3: {  	(tm) =	ssettm $0x7FFFFFFF  }
tec
execute0_lowered:
.L_overlay_start_1:
0x0: {  	(tag) =	ssettag $0x1  }
0x1: {  	s5 =	rddreg [dreg:$0x0]  }
0x2: {  	s2 =	rddreg [dreg:$0x1]  }
0x3: {  	s0 =	stileid.u32;
	s3 =	rddreg [dreg:$0x2]  }
0x4: {  	s4 =	simm.s32 $0x0;
	s6 =	srdreg.scid;
	s20 =	simm.s32 $0x6F00  }
0x5: {  	s21 =	simm.s32 $0x1;
	s22 =	simm.s32 $0x4;
	s23 =	simm.s32 $0x2  }
0x6: {  	s26 =	simm.s32 $0x4D80;
	s28 =	simm.s32 $0x4E00;
	s29 =	simm.s32 $0x0  }
0x7: {  	s10 =	smul.u32 $0x9C40, s0;
	[smem:$0x7FF] =	sst s4;
	s6 =	sand.u32 $0x1, s6  }
0x8: {  	s12 =	sadd.s32 $0x1A00, s5;
	s16 =	sadd.s32 $0xB640, s5;
	s18 =	sshll.u32 s0, $0x4  }
0x9: {  	_ =	strace $0x8000004D;
	s7 =	sshll.u32 s6, $0x4;
	s8 =	smul.u32 $0x13880, s6  }
0xa: {  	s6 =	ssub.s32 $0x2, s6;
	s18 =	sor.u32 $0x9C00, s18;
	s24 =	sshrl.u32 s10, $0x3  }
0xb: {  	s14 =	sor.u32 s0, s7;
	s31 =	sshrl.u32 s6, $0x1;
	s17 =	sadd.s32 s10, s2  }
0xc: {  	s19 =	sadd.s32 s10, s3;
	s11 =	sadd.s32 s24, s5;
	s9 =	smul.u32 $0x4E0, s14  }
0xd: {  	s13 =	sadd.s32 s8, s5;
	s15 =	ssub.s32 s6, s31;
	s8 =	sshll.u32 s0, $0x6  }
0xe: {  	p0 =	sgt.u32 s14, $0x3;
	s14 =	simm.s32 $0x2780;
	s7 =	sadd.s32 $0x28E00, s11  }
0xf: {  	s10 =	sadd.s32 $0x15400, s11;
	s11 =	sadd.s32 s12, s18;
	s25 =	sadd.s32 $0x3C800, s13  }
0x10: {  	s13 =	smax.u32 s15, $0x1;
	s15 =	sshrl.u32 s17, $0x3;
	s17 =	simm.s32 $0x3  }
0x11: {  	s5 =	sadd.s32 s12, s9;
	s6 =	sadd.s32 s9, s16;
	s9 =	sor.u32 $0x1C03, s8  }
0x12: {  	s12 =	sadd.s32 s18, s16;
	s16 =	sshrl.u32 s19, $0x3;
	s18 =	simm.s32 $0x80  }
0x13: {  	s19 =	simm.s32 $0x4F00;
	s24 =	sadd.s32 s24, s25;
	s25 =	simm.s32 $0x2680  }
.LBB2_1:
0x14: {  	[tilespmem:s4], [sflag:$0x3] =	stream.linear.gather [hbm4b:s5+s4], $0x2700, $0x38;
	[tilespmem:$0x1C780] =	vst v63  }
0x15: {  	s30 =	simm.s32 @!p0 $0x0;
	s31 =	simm.s32 @!p0 $0x2700  }
0x16: {  	[tilespmem:s14], [sflag:$0x3] =	stream.linear.gather [hbm4b:s6+s4], $0x2700, $0x38;
	[tilespmem:$0x1C780] =	vst v63  }
0x17: {  	[spmem:s15], [sflag:s9] =	dma.local [hbm:s7], $0x1388  }
0x18: {  	[spmem:s16], [sflag:s9] =	dma.local [hbm:s10], $0x1388  }
0x19: {  	[tilespmem:s31], [sflag:$0x4] =	stream.linear.gather @!p0 [hbm4b:s11+s30], $0x80, $0x38;
	[tilespmem:$0x1C780] =	vst v63  }
0x1a: {  	s31 =	simm.s32 @!p0 $0x4  }
0x1b: {  	_ =	swait.ge @!p0 [sflag:s31], $0x80  }
0x1c: {  	[sflag:s31] =	ssyncset.done @!p0 $0x0  }
0x1d: {  	s1 =	simm.s32 @!p0 $0x4E80;
	[sflag:s31] =	ssyncadd.s32 @!p0 $0xFFFFFF80  }
0x1e: {  	[tilespmem:s1], [sflag:$0x4] =	stream.linear.gather @!p0 [hbm4b:s12+s30], $0x80, $0x38;
	[tilespmem:$0x1C780] =	vst v63  }
0x1f: {  	_ =	swait.ge @!p0 [sflag:s31], $0x80  }
0x20: {  	[sflag:s31] =	ssyncset.done @!p0 $0x0  }
0x21: {  	[sflag:s31] =	ssyncadd.s32 @!p0 $0xFFFFFF80  }
0x22: {  	_ =	swait.ge [sflag:s17], $0x2700  }
0x23: {  	[sflag:s17] =	ssyncset.done $0x0  }
0x24: {  	[sflag:s17] =	ssyncadd.s32 $0xFFFFD900  }
0x25: {  	_ =	swait.ge [sflag:s17], $0x2700  }
0x26: {  	[sflag:s17] =	ssyncset.done $0x0  }
0x27: {  	[sflag:s17] =	ssyncadd.s32 $0xFFFFD900  }
0x28: {  	_ =	swait.ge [sflag:s17], $0x1388  }
0x29: {  	[sflag:s17] =	ssyncset.done $0x0  }
0x2a: {  	[sflag:s17] =	ssyncadd.s32 $0xFFFFEC78  }
0x2b: {  	_ =	swait.ge [sflag:s17], $0x1388  }
0x2c: {  	[sflag:s17] =	ssyncset.done $0x0  }
0x2d: {  	[sflag:s17] =	ssyncadd.s32 $0xFFFFEC78  }
0x2e: {  	[bflag:$0x0] =	sbarrier.arrive $0xFFFF  }
0x2f: {  	[tilespmem:s19], [sflag:$0x1] =	stream.indirect.gather [spmem:s3], $0x40, s4, s18, $0xb8;
	[tilespmem:$0x1C780] =	vst v63  }
0x30: {  	s0 =	simm.s32 $0x80  }
0x31: {  	[tilespmem:s20], [sflag:$0x2] =	stream.indirect.gather [spmem:s3], $0x40, s0, s18, $0xb8;
	[tilespmem:$0x1C780] =	vst v63  }
0x32: {  	_ =	swait.ge [sflag:s21], $0x2000  }
0x33: {  	[sflag:s21] =	ssyncset.done $0x0  }
0x34: {  	s0 =	simm.s32 $0x2780;
	[sflag:s21] =	ssyncadd.s32 $0xFFFFE000  }
0x35: {  	[spmem:s2] =	stream.indirect.scatter.add.f32 [tilespmem:s19], [sflag:$0x4], $0x40, s0, s18, $0xb8;
	[tilespmem:$0x1C780] =	vst v63  }
0x36: {  	_ =	swait.ge [sflag:s22], $0x2000  }
0x37: {  	[sflag:s22] =	ssyncset.done $0x0  }
0x38: {  	[sflag:s22] =	ssyncadd.s32 $0xFFFFE000  }
0x39: {  	_ =	swait.ge [sflag:s23], $0x2000  }
0x3a: {  	[sflag:s23] =	ssyncset.done $0x0  }
0x3b: {  	s0 =	simm.s32 $0x100;
	[sflag:s23] =	ssyncadd.s32 $0xFFFFE000  }
0x3c: {  	[tilespmem:s19], [sflag:$0x1] =	stream.indirect.gather [spmem:s3], $0x40, s0, s18, $0xb8;
	[tilespmem:$0x1C780] =	vst v63  }
0x3d: {  	s0 =	simm.s32 $0x2800  }
0x3e: {  	[spmem:s2] =	stream.indirect.scatter.add.f32 [tilespmem:s20], [sflag:$0x4], $0x40, s0, s18, $0xb8;
	[tilespmem:$0x1C780] =	vst v63  }
0x3f: {  	_ =	swait.ge [sflag:s22], $0x2000  }
0x40: {  	s30 =	simm.s32 $0x400;
	s31 =	simm.s32 $0x800;
	[sflag:s22] =	ssyncset.done $0x0  }
.LBB2_2:
0x41: {  	s1 =	sshra.s32 s30, $0x2  }
0x42: {  	[sflag:s22] =	ssyncadd.s32 $0xFFFFE000;
	s30 =	smov.u32 s31;
	s0 =	sadd.s32 $0x400, s31  }
0x43: {  	p1 =	sne.s32 s31, $0x9400;
	s31 =	sadd.s32 $0x80, s1  }
0x44: {  	[tilespmem:s20], [sflag:$0x2] =	stream.indirect.gather [spmem:s3], $0x40, s31, s18, $0xb8;
	[tilespmem:$0x1C780] =	vst v63  }
0x45: {  	_ =	swait.ge [sflag:s21], $0x2000  }
0x46: {  	[sflag:s21] =	ssyncset.done $0x0  }
0x47: {  	s31 =	sadd.s32 $0x2780, s1;
	[sflag:s21] =	ssyncadd.s32 $0xFFFFE000  }
0x48: {  	[spmem:s2] =	stream.indirect.scatter.add.f32 [tilespmem:s19], [sflag:$0x4], $0x40, s31, s18, $0xb8;
	[tilespmem:$0x1C780] =	vst v63  }
0x49: {  	_ =	swait.ge [sflag:s22], $0x2000  }
0x4a: {  	[sflag:s22] =	ssyncset.done $0x0  }
0x4b: {  	[sflag:s22] =	ssyncadd.s32 $0xFFFFE000  }
0x4c: {  	_ =	swait.ge [sflag:s23], $0x2000  }
0x4d: {  	[sflag:s23] =	ssyncset.done $0x0  }
0x4e: {  	s31 =	sadd.s32 $0x100, s1;
	[sflag:s23] =	ssyncadd.s32 $0xFFFFE000  }
0x4f: {  	[tilespmem:s19], [sflag:$0x1] =	stream.indirect.gather [spmem:s3], $0x40, s31, s18, $0xb8;
	[tilespmem:$0x1C780] =	vst v63  }
.Ltmp0:
0x50: {  	_ = 	snop;
	(pc) =	sbr.rel @p1 .LBB2_2-.Ltmp0, $4  }
0x51: {  	s1 =	sadd.s32 $0x2800, s1  }
0x52: {  	[spmem:s2] =	stream.indirect.scatter.add.f32 [tilespmem:s20], [sflag:$0x4], $0x40, s1, s18, $0xb8;
	[tilespmem:$0x1C780] =	vst v63  }
0x53: {  	_ =	swait.ge [sflag:s22], $0x2000  }
0x54: {  	s31 =	smov.u32 s0;
	[sflag:s22] =	ssyncset.done $0x0  }
0x55: {  	s0 =	sshra.s32 s30, $0x2  }
0x56: {  	[sflag:s22] =	ssyncadd.s32 $0xFFFFE000;
	s1 =	sadd.s32 $0x80, s0  }
0x57: {  	[tilespmem:s20], [sflag:$0x2] =	stream.indirect.gather [spmem:s3], $0x40, s1, s18, $0xb8;
	[tilespmem:$0x1C780] =	vst v63  }
0x58: {  	_ =	swait.ge [sflag:s21], $0x2000  }
0x59: {  	[sflag:s21] =	ssyncset.done $0x0  }
0x5a: {  	s31 =	sadd.s32 $0x2780, s0;
	[sflag:s21] =	ssyncadd.s32 $0xFFFFE000  }
0x5b: {  	[spmem:s2] =	stream.indirect.scatter.add.f32 [tilespmem:s19], [sflag:$0x4], $0x40, s31, s18, $0xb8;
	[tilespmem:$0x1C780] =	vst v63  }
0x5c: {  	_ =	swait.ge [sflag:s22], $0x2000  }
0x5d: {  	[sflag:s22] =	ssyncset.done $0x0  }
0x5e: {  	[sflag:s22] =	ssyncadd.s32 $0xFFFFE000  }
0x5f: {  	_ =	swait.ge [sflag:s23], $0x2000  }
0x60: {  	[sflag:s23] =	ssyncset.done $0x0  }
0x61: {  	s30 =	sadd.s32 $0x100, s0;
	[sflag:s23] =	ssyncadd.s32 $0xFFFFE000  }
0x62: {  	[tilespmem:s19], [sflag:$0x1] =	stream.indirect.gather [spmem:s3], $0x40, s30, s18, $0xb8;
	[tilespmem:$0x1C780] =	vst v63  }
0x63: {  	s0 =	sadd.s32 $0x2800, s0  }
0x64: {  	[spmem:s2] =	stream.indirect.scatter.add.f32 [tilespmem:s20], [sflag:$0x4], $0x40, s0, s18, $0xb8;
	[tilespmem:$0x1C780] =	vst v63  }
0x65: {  	_ =	swait.ge [sflag:s22], $0x2000  }
0x66: {  	[sflag:s22] =	ssyncset.done $0x0  }
0x67: {  	[sflag:s22] =	ssyncadd.s32 $0xFFFFE000  }
0x68: {  	[tilespmem:s20], [sflag:$0x2] =	stream.indirect.gather [spmem:s3], $0x40, s25, s18, $0xb8;
	[tilespmem:$0x1C780] =	vst v63  }
0x69: {  	_ =	swait.ge [sflag:s21], $0x2000  }
0x6a: {  	[sflag:s21] =	ssyncset.done $0x0  }
0x6b: {  	[sflag:s21] =	ssyncadd.s32 $0xFFFFE000  }
0x6c: {  	[spmem:s2] =	stream.indirect.scatter.add.f32 [tilespmem:s19], [sflag:$0x4], $0x40, s26, s18, $0xb8;
	[tilespmem:$0x1C780] =	vst v63  }
0x6d: {  	_ =	swait.ge [sflag:s22], $0x2000  }
0x6e: {  	[sflag:s22] =	ssyncset.done $0x0  }
0x6f: {  	[sflag:s22] =	ssyncadd.s32 $0xFFFFE000  }
0x70: {  	_ =	swait.ge [sflag:s23], $0x2000  }
0x71: {  	[sflag:s23] =	ssyncset.done $0x0  }
0x72: {  	[sflag:s23] =	ssyncadd.s32 $0xFFFFE000  }
0x73: {  	[spmem:s2] =	stream.indirect.scatter.add.f32 [tilespmem:s20], [sflag:$0x4], $0x40, s28, s18, $0xb8;
	[tilespmem:$0x1C780] =	vst v63  }
0x74: {  	_ =	swait.ge [sflag:s22], $0x2000  }
0x75: {  	s1 =	simm.s32 @!p0 $0x2700;
	[sflag:s22] =	ssyncset.done $0x0  }
0x76: {  	s30 =	simm.s32 @!p0 $0x4F00;
	s0 =	simm.s32 @!p0 $0x80;
	[sflag:s22] =	ssyncadd.s32 $0xFFFFE000  }
0x77: {  	[tilespmem:s30], [sflag:$0x1] =	stream.indirect.gather @!p0 [spmem:s3], $0x40, s1, s0, $0xb8;
	[tilespmem:$0x1C780] =	vst v63  }
0x78: {  	s1 =	simm.s32 @!p0 $0x1  }
0x79: {  	_ =	swait.ge @!p0 [sflag:s1], $0x2000  }
0x7a: {  	[sflag:s1] =	ssyncset.done @!p0 $0x0  }
0x7b: {  	[sflag:s1] =	ssyncadd.s32 @!p0 $0xFFFFE000;
	s1 =	simm.s32 @!p0 $0x4E80  }
0x7c: {  	[spmem:s2] =	stream.indirect.scatter.add.f32 @!p0 [tilespmem:s30], [sflag:$0x4], $0x40, s1, s0, $0xb8;
	[tilespmem:$0x1C780] =	vst v63  }
0x7d: {  	s0 =	simm.s32 @!p0 $0x4  }
0x7e: {  	_ =	swait.ge @!p0 [sflag:s0], $0x2000  }
0x7f: {  	s29 =	sadd.s32 $0x1, s29;
	[sflag:s0] =	ssyncset.done @!p0 $0x0  }
0x80: {  	p1 =	sne.s32 s29, s13;
	[sflag:s0] =	ssyncadd.s32 @!p0 $0xFFFFE000  }
.Ltmp1:
0x81: {  	s31 =	sor.u32 $0x1C04, s8;
	[bflag:$0x0] =	sbarrier.arrive $0xFFFF;
	(pc) =	sbr.rel @p1 .LBB2_1-.Ltmp1, $4  }
0x82: {  	[hbm:s24], [sflag:s31] =	dma.local [spmem:s15], $0x1388  }
0x83: {  	_ =	swait.ge [sflag:s22], $0x1388  }
0x84: {  	[sflag:s22] =	ssyncset.done $0x0  }
0x85: {  	[sflag:s22] =	ssyncadd.s32 $0xFFFFEC78  }
0x86: {  	_ =	sfence.sel $0x180000  }
0x87: {  	[bflag:$0x0] =	sbarrier.arrive $0xFFFF  }
0x88: {  	_ =	strace $0x9000004D  }
0x89: {  	s0 =	stileid.u32;
	[bflag:$0x2] =	sbarrier.arrive $0xFFFF  }
0x8a: {  	p0 =	sne.s32 s0, $0x0;
	s0 =	rddreg [dreg:$0x3]  }
0x8b: {  	s0 =	sadd.s32 @!p0 $0x100000, s0  }
0x8c: {  	[sflag:s0] =	ssyncadd.tile.s32 @!p0 $0x1;
	_ =	shalt  }
.Lfunc_end2:
_tile_overlayer_lowered:
.L_overlay_start_2:
0x8d: {  	(tag) =	ssettag $0x2  }
0x8e: {  	s0 =	rddreg [dreg:$0x0];
	s2 =	stileid.u32  }
0x8f: {  	s1 =	rddreg [dreg:$0x1];
	p0 =	sne.s32 s2, $0x0  }
0x90: {  	s3 =	rddreg [dreg:$0x2];
	[bflag:$0x3] =	sbarrier.arrive $0xFFFF;
	s2 =	simm.s32 @!p0 $0x1C04  }
0x91: {  	[timem:s3], [sflag:s2] =	dma.local @!p0 [hbm:s0], s1  }
0x92: {  	s0 =	simm.s32 @!p0 $0x4  }
0x93: {  	_ =	swait.ge @!p0 [sflag:s0], s1  }
0x94: {  	s1 =	ssub.s32 @!p0 $0x0, s1;
	[sflag:s0] =	ssyncset.done @!p0 $0x0  }
0x95: {  	[sflag:s0] =	ssyncadd.s32 @!p0 s1  }
0x96: {  	[bflag:$0x3] =	sbarrier.arrive $0xFFFF  }
0x97: {  	_ =	shalt  }

// kernel: kernel.8.cloned.1.call-start
scs
__scs_entry_jumppad:
0x0: {  	(pc) =	sbr.rel $0x88, $3  }
0x1: {  	(tag) =	ssettag $0x0;
	lr =	simm.s32 $0x1  }
0x2: {  	[smem:$0x3F99] =	sst lr;
	_ =	strace $0xD0000000  }
0x3: {  	_ = 	snop  }
0x4: {  	_ = 	snop  }
0x5: {  	_ = 	snop  }
0x6: {  	_ = 	snop  }
0x7: {  	_ = 	snop  }
__scs_overlays_trampoline_lowered:
0x8: {  	[smem:$0x3FA8] =	sst s0  }
0x9: {  	[smem:$0x3FA9] =	sst s1  }
0xa: {  	[smem:$0x3FAA] =	sst s2  }
0xb: {  	[smem:$0x3FAB] =	sst s3  }
0xc: {  	[smem:$0x3FAC] =	sst s4  }
0xd: {  	[smem:$0x3FAD] =	sst s5  }
0xe: {  	[smem:$0x3FAE] =	sst s6  }
0xf: {  	[smem:$0x3FAF] =	sst s7  }
0x10: {  	[smem:$0x3FB0] =	sst s8  }
0x11: {  	[smem:$0x3FB1] =	sst s9;
	s0 =	simm.s32 @!p0 $0x0  }
0x12: {  	s1 =	sld [smem:$0x3F97];
	s0 =	simm.s32 @p0 $0x1  }
0x13: {  	[smem:$0x3FB2] =	sst s0;
	s0 =	simm.s32 @!p1 $0x0  }
0x14: {  	s2 =	sld [smem:$0x3F96];
	s0 =	simm.s32 @p1 $0x1  }
0x15: {  	[smem:$0x3FB3] =	sst s0;
	s0 =	simm.s32 @!p2 $0x0  }
0x16: {  	s3 =	sld [smem:$0x3FDB];
	s0 =	simm.s32 @p2 $0x1  }
0x17: {  	s4 =	simm.s32 $0x1BF5;
	[smem:$0x3FB5] =	sst s0  }
0x18: {  	s0 =	sld [smem:$0x3F98];
	_ =	swait.ge [sflag:s4], $0x0  }
0x19: {  	s7 =	sld [smem:$0x3F99]  }
0x1a: {  	s8 =	sadd.s32 $0xFFFFE003, lr  }
0x1b: {  	s9 =	sadd.s32 $0xFFFFFEF7, lr;
	s5 =	simm.s32 $0xFFFFFFFF;
	p2 =	slt.u32 s8, $0xFFFFF086  }
0x1c: {  	p1 =	slt.u32 s9, $0xF7A;
	s5 =	simm.s32 @!p2 $0x0  }
0x1d: {  	s5 =	simm.s32 @p1 $0x1;
	p0 =	seq.s32 s7, s2  }
0x1e: {  	s7 =	smul.u32 @!p0 $0xF7A, s2;
	p2 =	seq.s32 @!p0 s5, $0x0  }
0x1f: {  	s9 =	smul.u32 $0xF7A, s1;
	s8 =	simm.s32 @!p0 $0x1BF5;
	p2 =	por !p2, p0  }
0x20: {  	[sflag:s8] =	ssyncset.s32 @!p0 $0xFFFFF086;
	s6 =	sadd.s32 @!p0 s3, s7;
	s7 =	simm.s32 @!p0 $0x108  }
0x21: {  	s3 =	sadd.s32 s3, s9;
	s6 =	sadd.s32 @!p0 $0x88, s6;
	s7 =	simm.s32 @p2 $0x1082  }
0x22: {  	[simem:s7], [sflag:s8] =	dma.local @!p0 [hbm:s6], $0xF7A  }
0x23: {  	s9 =	sor.u32 $0xD0000000, s2;
	s6 =	simm.s32 $0x108;
	_ =	swait.ge @!p0 [sflag:s8], $0x0  }
0x24: {  	s3 =	sadd.s32 $0x88, s3;
	s6 =	simm.s32 @!p1 $0x1082;
	[sflag:s4] =	ssyncset.s32 $0xFFFFF086  }
0x25: {  	[simem:s6], [sflag:s4] =	dma.local [hbm:s3], $0xF7A  }
0x26: {  	[smem:$0x3F99] =	sst s1;
	(tag) =	ssettag s2;
	_ =	strace s9  }
0x27: {  	s1 =	sld [smem:$0x3FA9]  }
0x28: {  	s2 =	sld [smem:$0x3FAA]  }
0x29: {  	s4 =	sld [smem:$0x3FAC]  }
0x2a: {  	p0 =	seq.s32 s5, $0x0;
	s5 =	sld [smem:$0x3FAD]  }
0x2b: {  	s6 =	sld [smem:$0x3FAE]  }
0x2c: {  	s7 =	sld [smem:$0x3FAF]  }
0x2d: {  	s3 =	simm.s32 $0x108;
	s8 =	sld [smem:$0x3FB0]  }
0x2e: {  	s3 =	simm.s32 @!p0 $0x1082;
	s9 =	sld [smem:$0x3FB1]  }
0x2f: {  	lr =	sadd.s32 s0, s3;
	s0 =	sld [smem:$0x3FA8]  }
0x30: {  	s3 =	sld [smem:$0x3FAB]  }
0x31: {  	[smem:$0x3FB4] =	sst s10  }
0x32: {  	s10 =	sld [smem:$0x3FB2];
	_ =	sdelay $0x3  }
0x33: {  	p0 =	seq.s32 s10, $0x1;
	s10 =	sld [smem:$0x3FB4];
	_ =	sdelay $0x3  }
0x34: {  	[smem:$0x3FB4] =	sst s10  }
0x35: {  	s10 =	sld [smem:$0x3FB3];
	_ =	sdelay $0x3  }
0x36: {  	p1 =	seq.s32 s10, $0x1;
	s10 =	sld [smem:$0x3FB4];
	_ =	sdelay $0x3  }
0x37: {  	[smem:$0x3FB4] =	sst s10  }
0x38: {  	s10 =	sld [smem:$0x3FB5]  }
0x39: {  	_ = 	snop;
	(pc) =	sbr.ind lr, $3  }
0x3a: {  	_ = 	snop  }
0x3b: {  	_ = 	snop  }
0x3c: {  	p2 =	seq.s32 s10, $0x1;
	s10 =	sld [smem:$0x3FB4]  }
0x3d: {  	_ =	shalt  }
0x3e: {  	_ =	shalt  }
0x3f: {  	_ =	shalt  }
0x40: {  	_ =	shalt  }
0x41: {  	_ =	shalt  }
0x42: {  	_ =	shalt  }
0x43: {  	_ =	shalt  }
0x44: {  	_ =	shalt  }
0x45: {  	_ =	shalt  }
0x46: {  	_ =	shalt  }
0x47: {  	_ =	shalt  }
0x48: {  	_ =	shalt  }
0x49: {  	_ =	shalt  }
0x4a: {  	_ =	shalt  }
0x4b: {  	_ =	shalt  }
0x4c: {  	_ =	shalt  }
0x4d: {  	_ =	shalt  }
0x4e: {  	_ =	shalt  }
0x4f: {  	_ =	shalt  }
0x50: {  	_ =	shalt  }
0x51: {  	_ =	shalt  }
0x52: {  	_ =	shalt  }
0x53: {  	_ =	shalt  }
0x54: {  	_ =	shalt  }
0x55: {  	_ =	shalt  }
0x56: {  	_ =	shalt  }
0x57: {  	_ =	shalt  }
0x58: {  	_ =	shalt  }
0x59: {  	_ =	shalt  }
0x5a: {  	_ =	shalt  }
0x5b: {  	_ =	shalt  }
0x5c: {  	_ =	shalt  }
0x5d: {  	_ =	shalt  }
0x5e: {  	_ =	shalt  }
0x5f: {  	_ =	shalt  }
0x60: {  	_ =	shalt  }
0x61: {  	_ =	shalt  }
0x62: {  	_ =	shalt  }
0x63: {  	_ =	shalt  }
0x64: {  	_ =	shalt  }
0x65: {  	_ =	shalt  }
0x66: {  	_ =	shalt  }
0x67: {  	_ =	shalt  }
0x68: {  	_ =	shalt  }
0x69: {  	_ =	shalt  }
0x6a: {  	_ =	shalt  }
0x6b: {  	_ =	shalt  }
0x6c: {  	_ =	shalt  }
0x6d: {  	_ =	shalt  }
0x6e: {  	_ =	shalt  }
0x6f: {  	_ =	shalt  }
0x70: {  	_ =	shalt  }
0x71: {  	_ =	shalt  }
0x72: {  	_ =	shalt  }
0x73: {  	_ =	shalt  }
0x74: {  	_ =	shalt  }
0x75: {  	_ =	shalt  }
0x76: {  	_ =	shalt  }
0x77: {  	_ =	shalt  }
0x78: {  	_ =	shalt  }
0x79: {  	_ =	shalt  }
0x7a: {  	_ =	shalt  }
0x7b: {  	_ =	shalt  }
0x7c: {  	_ =	shalt  }
0x7d: {  	_ =	shalt  }
0x7e: {  	_ =	shalt  }
0x7f: {  	_ =	shalt  }
0x80: {  	_ =	shalt  }
0x81: {  	_ =	shalt  }
0x82: {  	_ =	shalt  }
0x83: {  	_ =	shalt  }
0x84: {  	_ =	shalt  }
0x85: {  	_ =	shalt  }
0x86: {  	_ =	shalt  }
0x87: {  	_ =	shalt  }
.Lfunc_end0:
.L_simem_size_0:
called_computation_lowered:
.L_overlay_start_0:
0x88: {  	s2 =	sld [smem:$0x3FD9]  }
0x89: {  	s3 =	sld [smem:$0x3FFE];
	_ =	sdelay $0x1  }
0x8a: {  	s1 =	srdreg.scid  }
0x8b: {  	s0 =	sand.u32 $0x1, s1  }
0x8c: {  	s17 =	sshll.u32 s0, $0xA;
	s2 =	sadd.s32 s3, s2  }
0x8d: {  	s2 =	sadd.s32 s2, s17  }
0x8e: {  	[smem:$0x3FC0] =	sst s2  }
0x8f: {  	_ = 	snop  }
0x90: {  	s2 =	sld [smem:$0x3FD0];
	(tm) =	ssettm $0x1  }
0x91: {  	s18 =	sld [smem:$0x3FFB];
	_ =	sdelay $0x3  }
0x92: {  	_ =	strace s18  }
0x93: {  	s3 =	sld [smem:$0x3FFC];
	_ =	sdelay $0x3  }
0x94: {  	_ =	strace s3  }
0x95: {  	s3 =	sld [smem:$0x3FFD];
	_ =	sdelay $0x3  }
0x96: {  	_ =	strace s3  }
0x97: {  	_ =	strace $0x8FFFFFFF  }
0x98: {  	s19 =	sld [smem:$0x3FDB];
	_ =	sdelay $0x1  }
0x99: {  	s4 =	simm.s32 $_scs_section_size  }
0x9a: {  	s5 =	simm.s32 $_size__tile_overlayer_lowered;
	s6 =	simm.s32 $_tile_overlayer_lowered  }
0x9b: {  	s22 =	simm.s32 $0x1BFF;
	s21 =	sshll.u32 s6, $0x1;
	s3 =	sadd.s32 s4, s19  }
0x9c: {  	s7 =	simm.s32 $0x0;
	s20 =	sshll.u32 s5, $0x1;
	s5 =	sadd.s32 s21, s3  }
0x9d: {  	[timem:s7], [sflag:s22] =	dma.local [hbm:s5], s20  }
0x9e: {  	_ =	swait.ge [sflag:s22], s20  }
0x9f: {  	s4 =	ssub.s32 $0x0, s20;
	[sflag:s22] =	ssyncset.done $0x0  }
0xa0: {  	[sflag:s22] =	ssyncadd.s32 s4;
	_ =	sdelay $0x1  }
0xa1: {  	s23 =	simm.s32 $0x1B8B  }
0xa2: {  	_ =	swait.ge [sflag:s23], $0x1  }
0xa3: {  	[sflag:s23] =	ssyncset.done $0x0  }
0xa4: {  	s25 =	simm.s32 $0x1B8E;
	s24 =	sld [smem:$0x3FFE];
	[sflag:s23] =	ssyncadd.s32 $0xFFFFFFFF  }
0xa5: {  	s26 =	simm.s32 $execute0_lowered;
	[smem:$0x3FD2] =	sst s25  }
0xa6: {  	s5 =	sshll.u32 s26, $0x1;
	_ =	strace $0x80000046;
	[dreg:$0x1] =	wrdreg $0xFFFFFFFF  }
0xa7: {  	s28 =	simm.s32 $_size_execute0_lowered;
	s3 =	sadd.s32 s3, s5;
	[dreg:$0x0] =	wrdreg $0x0  }
0xa8: {  	s5 =	sshll.u32 s28, $0x1;
	[dreg:$0x2] =	wrdreg s3  }
0xa9: {  	[dreg:$0x3] =	wrdreg s5  }
0xaa: {  	[dreg:$0x4] =	wrdreg $0xC0  }
0xab: {  	_ =	task [dreg:s7], $0x5FFFF  }
0xac: {  	[dreg:$0x1] =	wrdreg $0xFFFFFFFF  }
0xad: {  	[dreg:$0x0] =	wrdreg $0x60  }
0xae: {  	[dreg:$0x2] =	wrdreg s24  }
0xaf: {  	[dreg:$0x3] =	wrdreg s2  }
0xb0: {  	[dreg:$0x4] =	wrdreg $0x28000  }
0xb1: {  	[dreg:$0x5] =	wrdreg $0x9  }
0xb2: {  	_ =	task.clear_ibuf [dreg:s7], $0x6FFFF;
	_ =	strace $0x90000046  }
0xb3: {  	s29 =	simm.s32 $0x9;
	_ =	strace $0x80000048  }
0xb4: {  	_ =	swait.ge [sflag:s29], $0x1  }
0xb5: {  	[sflag:s29] =	ssyncadd.s32 $0xFFFFFFFF  }
0xb6: {  	_ =	strace $0x90000048  }
0xb7: {  	_ =	sfence  }
0xb8: {  	s30 =	sld [smem:$0x0];
	_ =	sdelay $0x2  }
0xb9: {  	s31 =	sshll.u32 s1, $0xD;
	s1 =	sshrl.u32 s1, $0x2  }
0xba: {  	s3 =	sand.u32 $0x4000, s31;
	s1 =	sadd.s32 s1, s30  }
0xbb: {  	s0 =	sor.u32 s3, s0;
	s1 =	sshll.u32 s1, $0x11  }
0xbc: {  	s0 =	sor.u32 s1, s0  }
0xbd: {  	s0 =	sadd.s32 $0x8F2B, s0  }
0xbe: {  	[sflag:s0] =	ssyncadd.remote.s32 $0x1  }
0xbf: {  	_ =	sfence.sel $0xFFFF  }
0xc0: {  	[dreg:$0x0] =	wrdreg $0xFFFFFFFF;
	(pc) =	sbr.abs _section_cstart, $3  }
0xc1: {  	[dreg:$0x1] =	wrdreg $0xFFFFFFFF  }
0xc2: {  	_ =	task.clear_ibuf [dreg:s7], $0x2FFFF;
	_ =	strace $0x9FFFFFFF  }
0xc3: {  	(tm) =	ssettm $0x7FFFFFFF  }
tec
execute0_lowered:
.L_overlay_start_1:
0x0: {  	(tag) =	ssettag $0x1  }
0x1: {  	s5 =	rddreg [dreg:$0x0]  }
0x2: {  	s6 =	rddreg [dreg:$0x1]  }
0x3: {  	s1 =	rddreg [dreg:$0x2];
	s2 =	srdreg.scid  }
0x4: {  	s0 =	rddreg [dreg:$0x3];
	s3 =	simm.s32 $0x0;
	s13 =	simm.s32 $0x80  }
0x5: {  	s14 =	simm.s32 $0x1;
	s19 =	simm.s32 $0x0;
	s4 =	sand.u32 $0x1, s2  }
0x6: {  	s2 =	stileid.u32;
	[smem:$0x7FF] =	sst s3;
	s30 =	sadd.s32 $0xB640, s5  }
0x7: {  	s7 =	sshll.u32 s4, $0x4;
	s8 =	smul.u32 $0x4E2, s4;
	_ =	strace $0x80000047  }
0x8: {  	s29 =	ssub.s32 $0x2, s4;
	s4 =	sadd.s32 $0x15400, s5;
	s11 =	smul.u32 $0x3E8, s2  }
0x9: {  	s31 =	sshll.u32 s2, $0x4;
	p0 =	sgt.u32 s2, $0x9;
	s18 =	sshll.u32 s2, $0x6  }
0xa: {  	s12 =	sor.u32 s2, s7;
	s10 =	sshrl.u32 s29, $0x1;
	s7 =	sadd.s32 s31, s30  }
0xb: {  	s9 =	smul.u32 $0x4E0, s12;
	s8 =	sadd.s32 s8, s5;
	s10 =	ssub.s32 s29, s10  }
0xc: {  	s15 =	sshrl.u32 s11, $0x3;
	s17 =	sadd.s32 s11, s1;
	s7 =	sadd.s32 $0x9C00, s7  }
.Ltmp0:
0xd: {  	p1 =	sgt.u32 s12, $0x3;
	s12 =	simm.s32 $0x2;
	(pc) =	sbr.rel .LBB2_1-.Ltmp0, $4  }
0xe: {  	s6 =	sadd.s32 s6, s15;
	s16 =	sadd.s32 $0x15600, s8;
	s8 =	smax.u32 s10, $0x1  }
0xf: {  	s10 =	sshll.u32 @!p0 s2, $0x6;
	s11 =	sshrl.u32 @!p0 s17, $0x3;
	s17 =	sshrl.u32 s17, $0x3  }
0x10: {  	s5 =	sadd.s32 s9, s30;
	s9 =	simm.s32 $0x2780;
	s10 =	sor.u32 @!p0 $0x1C03, s10  }
0x11: {  	s15 =	sadd.s32 s15, s16;
	s16 =	sor.u32 $0x1C03, s18;
	s18 =	simm.s32 $0x3  }
.LBB2_6:
0x12: {  	_ =	swait.ge [sflag:s14], $0x80  }
0x13: {  	[sflag:s14] =	ssyncset.done $0x0  }
0x14: {  	[sflag:s14] =	ssyncadd.s32 $0xFFFFFF80  }
0x15: {  	[bflag:$0x0] =	sbarrier.arrive $0xFFFF  }
.LBB2_8:
0x16: {  	[hbm:s15], [sflag:s16] =	dma.local [spmem:s17], $0x7D  }
0x17: {  	_ =	swait.ge [sflag:s18], $0x7D  }
0x18: {  	[sflag:s18] =	ssyncset.done $0x0  }
0x19: {  	[sflag:s18] =	ssyncadd.s32 $0xFFFFFF83  }
.LBB2_9:
0x1a: {  	s19 =	sadd.s32 $0x1, s19  }
0x1b: {  	p2 =	sne.s32 s19, s8  }
.Ltmp1:
0x1c: {  	_ = 	snop;
	(pc) =	sbr.rel @!p2 .LBB2_10-.Ltmp1, $1  }
0x1d: {  	_ =	sdelay $0x3  }
.LBB2_1:
0x1e: {  	[tilespmem:s3], [sflag:$0x2] =	stream.linear.gather [hbm4b:s5+s3], $0x2700, $0x38;
	[tilespmem:$0x2A78] =	vst v63  }
0x1f: {  	s20 =	simm.s32 @!p0 $0x3  }
0x20: {  	[tilespmem:s9], [sflag:$0x2] =	stream.linear.gather [hbm4b:s4+s3], $0x80, $0x38;
	[tilespmem:$0x2A78] =	vst v63  }
0x21: {  	[spmem:s11], [sflag:s10] =	dma.local @!p0 [hbm:s6], $0x7D  }
0x22: {  	_ =	swait.ge @!p0 [sflag:s20], $0x7D  }
0x23: {  	[sflag:s20] =	ssyncset.done @!p0 $0x0  }
0x24: {  	s21 =	simm.s32 @!p1 $0x2700;
	[sflag:s20] =	ssyncadd.s32 @!p0 $0xFFFFFF83;
	s20 =	simm.s32 @!p1 $0x0  }
0x25: {  	[tilespmem:s21], [sflag:$0x3] =	stream.linear.gather @!p1 [hbm4b:s7+s20], $0x80, $0x38;
	[tilespmem:$0x2A78] =	vst v63  }
0x26: {  	s20 =	simm.s32 @!p1 $0x3  }
0x27: {  	_ =	swait.ge @!p1 [sflag:s20], $0x80  }
0x28: {  	[sflag:s20] =	ssyncset.done @!p1 $0x0  }
0x29: {  	[sflag:s20] =	ssyncadd.s32 @!p1 $0xFFFFFF80  }
0x2a: {  	_ =	swait.ge [sflag:s12], $0x2700  }
0x2b: {  	[sflag:s12] =	ssyncset.done $0x0  }
0x2c: {  	[sflag:s12] =	ssyncadd.s32 $0xFFFFD900  }
0x2d: {  	_ =	swait.ge [sflag:s12], $0x80  }
0x2e: {  	[sflag:s12] =	ssyncset.done $0x0  }
0x2f: {  	[sflag:s12] =	ssyncadd.s32 $0xFFFFFF80  }
0x30: {  	s21 =	simm.s32 $0x0;
	s20 =	simm.s32 $0x200;
	[bflag:$0x0] =	sbarrier.arrive $0xFFFF  }
.LBB2_2:
0x31: {  	[spmem:s1] =	stream.indirect.scatter.add.f32 [tilespmem:s9], [sflag:$0x1], $0x1, s21, s13, $0xb8;
	[tilespmem:$0x2A78] =	vst v63  }
0x32: {  	s21 =	smov.u32 s20;
	p2 =	sne.s32 s20, $0x9A00  }
.Ltmp2:
0x33: {  	s20 =	sadd.s32 $0x200, s20;
	(pc) =	sbr.rel @p2 .LBB2_2-.Ltmp2, $2  }
0x34: {  	_ =	sdelay $0x2  }
0x35: {  	s21 =	sshra.s32 s21, $0x2  }
0x36: {  	[spmem:s1] =	stream.indirect.scatter.add.f32 [tilespmem:s9], [sflag:$0x1], $0x1, s21, s13, $0xb8;
	[tilespmem:$0x2A78] =	vst v63  }
0x37: {  	s20 =	simm.s32 @!p1 $0x80;
	s21 =	simm.s32 @!p1 $0x2700;
	s22 =	simm.s32 @!p1 $0x2780  }
0x38: {  	[spmem:s1] =	stream.indirect.scatter.add.f32 @!p1 [tilespmem:s22], [sflag:$0x1], $0x1, s21, s20, $0xb8;
	[tilespmem:$0x2A78] =	vst v63  }
0x39: {  	_ =	swait.ge [sflag:s14], $0x80  }
0x3a: {  	s20 =	simm.s32 $0x4D;
	[sflag:s14] =	ssyncset.done $0x0  }
.LBB2_4:
0x3b: {  	p2 =	sne.s32 s20, $0x1;
	s20 =	sadd.s32 $0xFFFFFFFF, s20;
	[sflag:s14] =	ssyncadd.s32 $0xFFFFFF80  }
.Ltmp3:
0x3c: {  	(pc) =	sbr.rel @p2 .LBB2_4-.Ltmp3, $3  }
0x3d: {  	_ =	sdelay $0x1  }
0x3e: {  	_ =	swait.ge [sflag:s14], $0x80  }
0x3f: {  	[sflag:s14] =	ssyncset.done $0x0  }
.Ltmp4:
0x40: {  	(pc) =	sbr.rel @!p1 .LBB2_6-.Ltmp4, $2  }
0x41: {  	_ =	sdelay $0x2  }
0x42: {  	[sflag:s14] =	ssyncadd.s32 $0xFFFFFF80  }
.Ltmp5:
0x43: {  	(pc) =	sbr.rel @p0 .LBB2_9-.Ltmp5, $4  }
.Ltmp6:
0x44: {  	(pc) =	sbr.rel @!p0 .LBB2_8-.Ltmp6, $4  }
0x45: {  	_ = 	snop  }
0x46: {  	[bflag:$0x0] =	sbarrier.arrive $0xFFFF  }
0x47: {  	_ = 	snop  }
0x48: {  	_ = 	snop  }
.LBB2_10:
0x49: {  	_ =	sfence.sel $0x180000  }
0x4a: {  	[bflag:$0x0] =	sbarrier.arrive $0xFFFF  }
0x4b: {  	p0 =	sne.s32 s2, $0x0;
	_ =	strace $0x90000047  }
0x4c: {  	s0 =	sadd.s32 @!p0 $0x100000, s0;
	[bflag:$0x2] =	sbarrier.arrive $0xFFFF  }
0x4d: {  	[sflag:s0] =	ssyncadd.tile.s32 @!p0 $0x1;
	_ =	shalt  }
.Lfunc_end2:
_tile_overlayer_lowered:
.L_overlay_start_2:
0x4e: {  	(tag) =	ssettag $0x2  }
0x4f: {  	s0 =	rddreg [dreg:$0x0];
	s2 =	stileid.u32  }
0x50: {  	s1 =	rddreg [dreg:$0x1];
	p0 =	sne.s32 s2, $0x0  }
0x51: {  	s3 =	rddreg [dreg:$0x2];
	[bflag:$0x3] =	sbarrier.arrive $0xFFFF;
	s2 =	simm.s32 @!p0 $0x1C03  }
0x52: {  	[timem:s3], [sflag:s2] =	dma.local @!p0 [hbm:s0], s1  }
0x53: {  	s0 =	simm.s32 @!p0 $0x3  }
0x54: {  	_ =	swait.ge @!p0 [sflag:s0], s1  }
0x55: {  	s1 =	ssub.s32 @!p0 $0x0, s1;
	[sflag:s0] =	ssyncset.done @!p0 $0x0  }
0x56: {  	[sflag:s0] =	ssyncadd.s32 @!p0 s1  }
0x57: {  	[bflag:$0x3] =	sbarrier.arrive $0xFFFF  }
0x58: {  	_ =	shalt  }

</sc_bundles>
